<compile_context>
chip_gen: v7x
topology: tpu7x:2x2x1
jax: 0.10.2.dev20260603
libtpu: 0.0.44.dev20260713+nightly
codegen_flags: <defaults>
</compile_context>

<pallas_src>
import functools

import jax
import jax.numpy as jnp
from jax import lax
from jax.experimental import pallas as pl
from jax.experimental.pallas import tpu as pltpu
from jax.experimental.pallas import tpu_sc as plsc

BATCH = 4
SEQ_LEN = 8192
D_MODEL = 1024

_NC = 2
_NS = 16
_NW = _NC * _NS
_B_TOT = BATCH * SEQ_LEN
_B_PER_W = _B_TOT // _NW
_CH = 16
_NCH = _B_PER_W // _CH
_NSLOT = 4
_NP = _NCH // _NSLOT

_mesh = plsc.VectorSubcoreMesh(core_axis_name="c", subcore_axis_name="s")


@functools.partial(
    pl.kernel,
    mesh=_mesh,
    out_type=jax.ShapeDtypeStruct((_B_TOT, D_MODEL), jnp.float32),
    scratch_types=[
        pltpu.VMEM((_B_PER_W,), jnp.int32),
        pltpu.VMEM((_NSLOT, _CH, D_MODEL), jnp.float32),
        pltpu.SemaphoreType.DMA((_NSLOT,)),
        pltpu.SemaphoreType.DMA((_NSLOT,)),
    ],
)
def _gather_kernel(idx_hbm, table_hbm, out_hbm, idx_v, rows, gsem, psem):
    wid = lax.axis_index("s") * _NC + lax.axis_index("c")
    base = wid * _B_PER_W
    pltpu.sync_copy(idx_hbm.at[pl.ds(base, _B_PER_W)], idx_v)

    def g_start(c, s):
        off = pl.multiple_of(c * _CH, _CH)
        pltpu.async_copy(
            table_hbm.at[idx_v.at[pl.ds(off, _CH)]], rows.at[s], gsem.at[s]
        )

    def g_wait(c, s):
        off = pl.multiple_of(c * _CH, _CH)
        pltpu.make_async_copy(
            table_hbm.at[idx_v.at[pl.ds(off, _CH)]], rows.at[s], gsem.at[s]
        ).wait()

    def p_start(c, s):
        off = pl.multiple_of(base + c * _CH, _CH)
        pltpu.async_copy(rows.at[s], out_hbm.at[pl.ds(off, _CH)], psem.at[s])

    def p_wait(c, s):
        off = pl.multiple_of(base + c * _CH, _CH)
        pltpu.make_async_copy(
            rows.at[s], out_hbm.at[pl.ds(off, _CH)], psem.at[s]
        ).wait()

    g_start(0, 0)
    g_start(1, 1)

    def body(p, carry):
        for b in range(_NSLOT):
            c = _NSLOT * p + b
            b2 = (b - 2) % _NSLOT
            c2 = c - 2

            @pl.when(c2 >= 0)
            def _():
                p_wait(c2, b2)

            @pl.when(c2 + _NSLOT < _NCH)
            def _():
                g_start(c2 + _NSLOT, b2)

            g_wait(c, b)
            p_start(c, b)
        return carry

    lax.fori_loop(0, _NP, body, 0)
    p_wait(_NCH - 2, (_NCH - 2) % _NSLOT)
    p_wait(_NCH - 1, (_NCH - 1) % _NSLOT)


def kernel(x, table):
    out = _gather_kernel(x.reshape(_B_TOT), table)
    return out.reshape(BATCH, SEQ_LEN, D_MODEL)

# --- scband reference (transcript-rebuilt; emitter-appended) ---
"""Pipeline reference for scband-positional-encoding-88356067214054 (READ-ONLY COPY).

The authoritative reference and input builder live on the scoring server;
editing this copy changes nothing except your own understanding.
"""

import jax, jax.numpy as jnp
import numpy as np

MAX_SEQ_LEN = 8192
D_MODEL = 1024
BATCH = 4
SEQ_LEN = 8192


def make_positional_encoding():
    i_seq = jnp.linspace(0.0, MAX_SEQ_LEN - 1, MAX_SEQ_LEN)
    j_seq = jnp.linspace(0.0, D_MODEL - 2, D_MODEL // 2)
    pos, two_i = jnp.meshgrid(i_seq, j_seq, indexing='ij')
    pe_2i = jnp.sin(pos / 10000 ** (two_i / D_MODEL))
    pe_2i_1 = jnp.cos(pos / 10000 ** (two_i / D_MODEL))
    return jnp.stack((pe_2i, pe_2i_1), 2).reshape(MAX_SEQ_LEN, D_MODEL).astype(jnp.float32)


def setup_inputs(seed: int = 0) -> dict:
    key = jax.random.key(seed)
    x = jax.random.randint(key, (BATCH, SEQ_LEN), 0, MAX_SEQ_LEN, dtype=jnp.int32)
    table = make_positional_encoding()
    return {"x": x, "table": table}


def reference(x, table):
    # nn.Embedding lookup: gather rows of the precomputed sinusoidal table
    return jnp.take(table, x, axis=0)

if __name__ == "__main__":
    import jax
    _d = setup_inputs()
    print(jax.jit(kernel)(*tuple(_d.values())))

</pallas_src>

<mosaic_0001>
#map = affine_map<(d0, d1) -> (0)>
#map1 = affine_map<(d0, d1) -> (0, 0)>
module attributes {stable_mosaic.version = 14 : i64} {
  func.func @_gather_kernel(%arg0: i32, %arg1: i32, %arg2: memref<32768xi32, #tpu.memory_space<hbm>>, %arg3: memref<8192x1024xf32, #tpu.memory_space<hbm>>, %arg4: memref<32768x1024xf32, #tpu.memory_space<hbm>>, %arg5: memref<1024xi32, #tpu.memory_space<vmem>>, %arg6: memref<4x16x1024xf32, #tpu.memory_space<vmem>>, %arg7: memref<4x!tpu.dma_semaphore, #tpu.memory_space<semaphore_mem>>, %arg8: memref<4x!tpu.dma_semaphore, #tpu.memory_space<semaphore_mem>>) attributes {dimension_semantics = [#tpu.dimension_semantics<core_parallel>, #tpu.dimension_semantics<subcore_parallel>], iteration_bounds = array<i64: 2, 16>, scalar_prefetch = 0 : i64, scratch_operands = 4 : i64, tpu.core_type = #tpu.core_type<sc_vector_subcore>, window_params = [{transform_indices = #map}, {transform_indices = #map1}, {transform_indices = #map1}]} {
    %mul3A = arith.constant 2 : i32
    %mul3A_0 = arith.muli %arg1, %mul3A : i32
    %add3A = arith.addi %mul3A_0, %arg0 : i32
    %mul3A_1 = arith.constant 1024 : i32
    %mul3A_2 = arith.muli %add3A, %mul3A_1 : i32
    "tpu.region"() ({
      %run_scoped3A = tpu.sem_alloc : memref<!tpu.dma_semaphore, #tpu.memory_space<semaphore_mem>>
      %dma_start3A_71 = tpu.memref_slice %arg2[%mul3A_2] : memref<32768xi32, #tpu.memory_space<hbm>> -> memref<1024xi32, #tpu.memory_space<hbm>>
      %dma_start3A_72 = tpu.memref_slice %arg2[%mul3A_2] : memref<32768xi32, #tpu.memory_space<hbm>> -> memref<1024xi32, #tpu.memory_space<hbm>>
      tpu.enqueue_dma source(%dma_start3A_72 : memref<1024xi32, #tpu.memory_space<hbm>>) target(%arg5 : memref<1024xi32, #tpu.memory_space<vmem>>) target_semaphore(%run_scoped3A : memref<!tpu.dma_semaphore, #tpu.memory_space<semaphore_mem>>)
      %dma_wait3A_73 = tpu.memref_slice %arg2[%mul3A_2] : memref<32768xi32, #tpu.memory_space<hbm>> -> memref<1024xi32, #tpu.memory_space<hbm>>
      %dma_wait3A_74 = tpu.memref_slice %arg2[%mul3A_2] : memref<32768xi32, #tpu.memory_space<hbm>> -> memref<1024xi32, #tpu.memory_space<hbm>>
      tpu.wait_dma2 semaphore(%run_scoped3A : memref<!tpu.dma_semaphore, #tpu.memory_space<semaphore_mem>>) src(%dma_wait3A_74 : memref<1024xi32, #tpu.memory_space<hbm>>) dst(%arg5 : memref<1024xi32, #tpu.memory_space<vmem>>)
      tpu.yield
    }) : () -> ()
    %multiple_of3A = arith.constant 0 : i32
    %multiple_of3A_3 = tpu.assume_multiple %multiple_of3A, 16 : i32
    %dma_start3A = arith.constant 0 : i32
    %dma_start3A_4 = arith.constant 0 : i32
    %dma_start3A_5 = arith.constant 0 : i32
    %dma_start3A_6 = arith.constant 0 : i32
    %dma_start3A_7 = tpu.memref_slice %arg6[%dma_start3A, %dma_start3A_5, %dma_start3A_6] : memref<4x16x1024xf32, #tpu.memory_space<vmem>> -> memref<1x16x1024xf32, #tpu.memory_space<vmem>>
    %dma_start3A_8 = tpu.memref_squeeze %dma_start3A_7 : memref<1x16x1024xf32, #tpu.memory_space<vmem>> -> memref<16x1024xf32, #tpu.memory_space<vmem>>
    %dma_start3A_9 = tpu.memref_slice %arg5[%multiple_of3A_3] : memref<1024xi32, #tpu.memory_space<vmem>> -> memref<16xi32, #tpu.memory_space<vmem>>
    %dma_start3A_10 = arith.constant 0 : i32
    %dma_start3A_11 = arith.constant 0 : i32
    %dma_start3A_12 = tpu.memref_slice %arg3[%dma_start3A_10, %dma_start3A_11] : memref<8192x1024xf32, #tpu.memory_space<hbm>> -> memref<8192x1024xf32, #tpu.memory_space<hbm>>
    %dma_start3A_13 = tpu.memref_slice %arg7[%dma_start3A_4] : memref<4x!tpu.dma_semaphore, #tpu.memory_space<semaphore_mem>> -> memref<1x!tpu.dma_semaphore, #tpu.memory_space<semaphore_mem>>
    %dma_start3A_14 = tpu.memref_squeeze %dma_start3A_13 : memref<1x!tpu.dma_semaphore, #tpu.memory_space<semaphore_mem>> -> memref<!tpu.dma_semaphore, #tpu.memory_space<semaphore_mem>>
    tpu.enqueue_indirect_dma source(%dma_start3A_12 : memref<8192x1024xf32, #tpu.memory_space<hbm>>) target(%dma_start3A_8 : memref<16x1024xf32, #tpu.memory_space<vmem>>) offsets(%dma_start3A_9 : memref<16xi32, #tpu.memory_space<vmem>>) semaphore(%dma_start3A_14 : memref<!tpu.dma_semaphore, #tpu.memory_space<semaphore_mem>>)
    %multiple_of3A_15 = arith.constant 16 : i32
    %multiple_of3A_16 = tpu.assume_multiple %multiple_of3A_15, 16 : i32
    %dma_start3A_17 = arith.constant 1 : i32
    %dma_start3A_18 = arith.constant 1 : i32
    %dma_start3A_19 = arith.constant 0 : i32
    %dma_start3A_20 = arith.constant 0 : i32
    %dma_start3A_21 = tpu.memref_slice %arg6[%dma_start3A_17, %dma_start3A_19, %dma_start3A_20] : memref<4x16x1024xf32, #tpu.memory_space<vmem>> -> memref<1x16x1024xf32, #tpu.memory_space<vmem>>
    %dma_start3A_22 = tpu.memref_squeeze %dma_start3A_21 : memref<1x16x1024xf32, #tpu.memory_space<vmem>> -> memref<16x1024xf32, #tpu.memory_space<vmem>>
    %dma_start3A_23 = tpu.memref_slice %arg5[%multiple_of3A_16] : memref<1024xi32, #tpu.memory_space<vmem>> -> memref<16xi32, #tpu.memory_space<vmem>>
    %dma_start3A_24 = arith.constant 0 : i32
    %dma_start3A_25 = arith.constant 0 : i32
    %dma_start3A_26 = tpu.memref_slice %arg3[%dma_start3A_24, %dma_start3A_25] : memref<8192x1024xf32, #tpu.memory_space<hbm>> -> memref<8192x1024xf32, #tpu.memory_space<hbm>>
    %dma_start3A_27 = tpu.memref_slice %arg7[%dma_start3A_18] : memref<4x!tpu.dma_semaphore, #tpu.memory_space<semaphore_mem>> -> memref<1x!tpu.dma_semaphore, #tpu.memory_space<semaphore_mem>>
    %dma_start3A_28 = tpu.memref_squeeze %dma_start3A_27 : memref<1x!tpu.dma_semaphore, #tpu.memory_space<semaphore_mem>> -> memref<!tpu.dma_semaphore, #tpu.memory_space<semaphore_mem>>
    tpu.enqueue_indirect_dma source(%dma_start3A_26 : memref<8192x1024xf32, #tpu.memory_space<hbm>>) target(%dma_start3A_22 : memref<16x1024xf32, #tpu.memory_space<vmem>>) offsets(%dma_start3A_23 : memref<16xi32, #tpu.memory_space<vmem>>) semaphore(%dma_start3A_28 : memref<!tpu.dma_semaphore, #tpu.memory_space<semaphore_mem>>)
    %scan3A = arith.constant 0 : i32
    %scan3A_29 = arith.constant 0 : i32
    %scan3A_30 = arith.constant 16 : i32
    %scan3A_31 = arith.addi %scan3A_29, %scan3A_30 : i32
    %scan3A_32 = arith.constant 1 : i32
    scf.for %scan3A_71 = %scan3A_29 to %scan3A_31 step %scan3A_32  : i32 {
      %mul3A_72 = arith.constant 4 : i32
      %mul3A_73 = arith.muli %mul3A_72, %scan3A_71 : i32
      %add3A_74 = arith.constant 0 : i32
      %add3A_75 = arith.addi %mul3A_73, %add3A_74 : i32
      %sub3A = arith.constant 2 : i32
      %sub3A_76 = arith.subi %add3A_75, %sub3A : i32
      %ge3A = arith.constant 0 : i32
      %ge3A_77 = arith.cmpi sge, %sub3A_76, %ge3A : i32
      %convert_element_type3A = arith.extui %ge3A_77 : i1 to i32
      %cond3A = arith.constant 0 : i32
      %cond3A_78 = arith.cmpi ne, %convert_element_type3A, %cond3A : i32
      scf.if %cond3A_78 {
        %mul3A_279 = arith.constant 16 : i32
        %mul3A_280 = arith.muli %sub3A_76, %mul3A_279 : i32
        %add3A_281 = arith.addi %mul3A_2, %mul3A_280 : i32
        %multiple_of3A_282 = tpu.assume_multiple %add3A_281, 16 : i32
        %dma_wait3A_283 = arith.constant 2 : i32
        %dma_wait3A_284 = arith.constant 2 : i32
        %dma_wait3A_285 = arith.constant 0 : i32
        %dma_wait3A_286 = arith.constant 0 : i32
        %dma_wait3A_287 = tpu.memref_slice %arg6[%dma_wait3A_283, %dma_wait3A_285, %dma_wait3A_286] : memref<4x16x1024xf32, #tpu.memory_space<vmem>> -> memref<1x16x1024xf32, #tpu.memory_space<vmem>>
        %dma_wait3A_288 = tpu.memref_squeeze %dma_wait3A_287 : memref<1x16x1024xf32, #tpu.memory_space<vmem>> -> memref<16x1024xf32, #tpu.memory_space<vmem>>
        %dma_wait3A_289 = arith.constant 0 : i32
        %dma_wait3A_290 = tpu.memref_slice %arg4[%multiple_of3A_282, %dma_wait3A_289] : memref<32768x1024xf32, #tpu.memory_space<hbm>> -> memref<16x1024xf32, #tpu.memory_space<hbm>>
        %dma_wait3A_291 = tpu.memref_slice %arg8[%dma_wait3A_284] : memref<4x!tpu.dma_semaphore, #tpu.memory_space<semaphore_mem>> -> memref<1x!tpu.dma_semaphore, #tpu.memory_space<semaphore_mem>>
        %dma_wait3A_292 = tpu.memref_squeeze %dma_wait3A_291 : memref<1x!tpu.dma_semaphore, #tpu.memory_space<semaphore_mem>> -> memref<!tpu.dma_semaphore, #tpu.memory_space<semaphore_mem>>
        %dma_wait3A_293 = arith.constant 0 : i32
        %dma_wait3A_294 = tpu.memref_slice %arg4[%multiple_of3A_282, %dma_wait3A_293] : memref<32768x1024xf32, #tpu.memory_space<hbm>> -> memref<16x1024xf32, #tpu.memory_space<hbm>>
        %dma_wait3A_295 = arith.constant 0 : i32
        %dma_wait3A_296 = arith.constant 0 : i32
        %dma_wait3A_297 = tpu.memref_slice %arg6[%dma_wait3A_283, %dma_wait3A_295, %dma_wait3A_296] : memref<4x16x1024xf32, #tpu.memory_space<vmem>> -> memref<1x16x1024xf32, #tpu.memory_space<vmem>>
        %dma_wait3A_298 = tpu.memref_squeeze %dma_wait3A_297 : memref<1x16x1024xf32, #tpu.memory_space<vmem>> -> memref<16x1024xf32, #tpu.memory_space<vmem>>
        tpu.wait_dma2 semaphore(%dma_wait3A_292 : memref<!tpu.dma_semaphore, #tpu.memory_space<semaphore_mem>>) src(%dma_wait3A_298 : memref<16x1024xf32, #tpu.memory_space<vmem>>) dst(%dma_wait3A_294 : memref<16x1024xf32, #tpu.memory_space<hbm>>)
      } else {
      }
      %add3A_79 = arith.constant 4 : i32
      %add3A_80 = arith.addi %sub3A_76, %add3A_79 : i32
      %lt3A = arith.constant 64 : i32
      %lt3A_81 = arith.cmpi slt, %add3A_80, %lt3A : i32
      %convert_element_type3A_82 = arith.extui %lt3A_81 : i1 to i32
      %cond3A_83 = arith.constant 0 : i32
      %cond3A_84 = arith.cmpi ne, %convert_element_type3A_82, %cond3A_83 : i32
      scf.if %cond3A_84 {
        %add3A_279 = arith.constant 4 : i32
        %add3A_280 = arith.addi %sub3A_76, %add3A_279 : i32
        %mul3A_281 = arith.constant 16 : i32
        %mul3A_282 = arith.muli %add3A_280, %mul3A_281 : i32
        %multiple_of3A_283 = tpu.assume_multiple %mul3A_282, 16 : i32
        %dma_start3A_284 = arith.constant 2 : i32
        %dma_start3A_285 = arith.constant 2 : i32
        %dma_start3A_286 = arith.constant 0 : i32
        %dma_start3A_287 = arith.constant 0 : i32
        %dma_start3A_288 = tpu.memref_slice %arg6[%dma_start3A_284, %dma_start3A_286, %dma_start3A_287] : memref<4x16x1024xf32, #tpu.memory_space<vmem>> -> memref<1x16x1024xf32, #tpu.memory_space<vmem>>
        %dma_start3A_289 = tpu.memref_squeeze %dma_start3A_288 : memref<1x16x1024xf32, #tpu.memory_space<vmem>> -> memref<16x1024xf32, #tpu.memory_space<vmem>>
        %dma_start3A_290 = tpu.memref_slice %arg5[%multiple_of3A_283] : memref<1024xi32, #tpu.memory_space<vmem>> -> memref<16xi32, #tpu.memory_space<vmem>>
        %dma_start3A_291 = arith.constant 0 : i32
        %dma_start3A_292 = arith.constant 0 : i32
        %dma_start3A_293 = tpu.memref_slice %arg3[%dma_start3A_291, %dma_start3A_292] : memref<8192x1024xf32, #tpu.memory_space<hbm>> -> memref<8192x1024xf32, #tpu.memory_space<hbm>>
        %dma_start3A_294 = tpu.memref_slice %arg7[%dma_start3A_285] : memref<4x!tpu.dma_semaphore, #tpu.memory_space<semaphore_mem>> -> memref<1x!tpu.dma_semaphore, #tpu.memory_space<semaphore_mem>>
        %dma_start3A_295 = tpu.memref_squeeze %dma_start3A_294 : memref<1x!tpu.dma_semaphore, #tpu.memory_space<semaphore_mem>> -> memref<!tpu.dma_semaphore, #tpu.memory_space<semaphore_mem>>
        tpu.enqueue_indirect_dma source(%dma_start3A_293 : memref<8192x1024xf32, #tpu.memory_space<hbm>>) target(%dma_start3A_289 : memref<16x1024xf32, #tpu.memory_space<vmem>>) offsets(%dma_start3A_290 : memref<16xi32, #tpu.memory_space<vmem>>) semaphore(%dma_start3A_295 : memref<!tpu.dma_semaphore, #tpu.memory_space<semaphore_mem>>)
      } else {
      }
      %mul3A_85 = arith.constant 16 : i32
      %mul3A_86 = arith.muli %add3A_75, %mul3A_85 : i32
      %multiple_of3A_87 = tpu.assume_multiple %mul3A_86, 16 : i32
      %dma_wait3A_88 = arith.constant 0 : i32
      %dma_wait3A_89 = arith.constant 0 : i32
      %dma_wait3A_90 = arith.constant 0 : i32
      %dma_wait3A_91 = arith.constant 0 : i32
      %dma_wait3A_92 = tpu.memref_slice %arg6[%dma_wait3A_88, %dma_wait3A_90, %dma_wait3A_91] : memref<4x16x1024xf32, #tpu.memory_space<vmem>> -> memref<1x16x1024xf32, #tpu.memory_space<vmem>>
      %dma_wait3A_93 = tpu.memref_squeeze %dma_wait3A_92 : memref<1x16x1024xf32, #tpu.memory_space<vmem>> -> memref<16x1024xf32, #tpu.memory_space<vmem>>
      %dma_wait3A_94 = tpu.memref_slice %arg5[%multiple_of3A_87] : memref<1024xi32, #tpu.memory_space<vmem>> -> memref<16xi32, #tpu.memory_space<vmem>>
      %dma_wait3A_95 = arith.constant 0 : i32
      %dma_wait3A_96 = arith.constant 0 : i32
      %dma_wait3A_97 = tpu.memref_slice %arg3[%dma_wait3A_95, %dma_wait3A_96] : memref<8192x1024xf32, #tpu.memory_space<hbm>> -> memref<8192x1024xf32, #tpu.memory_space<hbm>>
      %dma_wait3A_98 = tpu.memref_slice %arg7[%dma_wait3A_89] : memref<4x!tpu.dma_semaphore, #tpu.memory_space<semaphore_mem>> -> memref<1x!tpu.dma_semaphore, #tpu.memory_space<semaphore_mem>>
      %dma_wait3A_99 = tpu.memref_squeeze %dma_wait3A_98 : memref<1x!tpu.dma_semaphore, #tpu.memory_space<semaphore_mem>> -> memref<!tpu.dma_semaphore, #tpu.memory_space<semaphore_mem>>
      tpu.wait_indirect_dma semaphore(%dma_wait3A_99 : memref<!tpu.dma_semaphore, #tpu.memory_space<semaphore_mem>>) src(%dma_wait3A_97 : memref<8192x1024xf32, #tpu.memory_space<hbm>>) dst(%dma_wait3A_93 : memref<16x1024xf32, #tpu.memory_space<vmem>>)
      %mul3A_100 = arith.constant 16 : i32
      %mul3A_101 = arith.muli %add3A_75, %mul3A_100 : i32
      %add3A_102 = arith.addi %mul3A_2, %mul3A_101 : i32
      %multiple_of3A_103 = tpu.assume_multiple %add3A_102, 16 : i32
      %dma_start3A_104 = arith.constant 0 : i32
      %dma_start3A_105 = arith.constant 0 : i32
      %dma_start3A_106 = arith.constant 0 : i32
      %dma_start3A_107 = arith.constant 0 : i32
      %dma_start3A_108 = tpu.memref_slice %arg6[%dma_start3A_104, %dma_start3A_106, %dma_start3A_107] : memref<4x16x1024xf32, #tpu.memory_space<vmem>> -> memref<1x16x1024xf32, #tpu.memory_space<vmem>>
      %dma_start3A_109 = tpu.memref_squeeze %dma_start3A_108 : memref<1x16x1024xf32, #tpu.memory_space<vmem>> -> memref<16x1024xf32, #tpu.memory_space<vmem>>
      %dma_start3A_110 = arith.constant 0 : i32
      %dma_start3A_111 = tpu.memref_slice %arg4[%multiple_of3A_103, %dma_start3A_110] : memref<32768x1024xf32, #tpu.memory_space<hbm>> -> memref<16x1024xf32, #tpu.memory_space<hbm>>
      %dma_start3A_112 = tpu.memref_slice %arg8[%dma_start3A_105] : memref<4x!tpu.dma_semaphore, #tpu.memory_space<semaphore_mem>> -> memref<1x!tpu.dma_semaphore, #tpu.memory_space<semaphore_mem>>
      %dma_start3A_113 = tpu.memref_squeeze %dma_start3A_112 : memref<1x!tpu.dma_semaphore, #tpu.memory_space<semaphore_mem>> -> memref<!tpu.dma_semaphore, #tpu.memory_space<semaphore_mem>>
      %dma_start3A_114 = arith.constant 0 : i32
      %dma_start3A_115 = tpu.memref_slice %arg4[%multiple_of3A_103, %dma_start3A_114] : memref<32768x1024xf32, #tpu.memory_space<hbm>> -> memref<16x1024xf32, #tpu.memory_space<hbm>>
      %dma_start3A_116 = arith.constant 0 : i32
      %dma_start3A_117 = arith.constant 0 : i32
      %dma_start3A_118 = tpu.memref_slice %arg6[%dma_start3A_104, %dma_start3A_116, %dma_start3A_117] : memref<4x16x1024xf32, #tpu.memory_space<vmem>> -> memref<1x16x1024xf32, #tpu.memory_space<vmem>>
      %dma_start3A_119 = tpu.memref_squeeze %dma_start3A_118 : memref<1x16x1024xf32, #tpu.memory_space<vmem>> -> memref<16x1024xf32, #tpu.memory_space<vmem>>
      tpu.enqueue_dma source(%dma_start3A_119 : memref<16x1024xf32, #tpu.memory_space<vmem>>) target(%dma_start3A_115 : memref<16x1024xf32, #tpu.memory_space<hbm>>) target_semaphore(%dma_start3A_113 : memref<!tpu.dma_semaphore, #tpu.memory_space<semaphore_mem>>)
      %mul3A_120 = arith.constant 4 : i32
      %mul3A_121 = arith.muli %mul3A_120, %scan3A_71 : i32
      %add3A_122 = arith.constant 1 : i32
      %add3A_123 = arith.addi %mul3A_121, %add3A_122 : i32
      %sub3A_124 = arith.constant 2 : i32
      %sub3A_125 = arith.subi %add3A_123, %sub3A_124 : i32
      %ge3A_126 = arith.constant 0 : i32
      %ge3A_127 = arith.cmpi sge, %sub3A_125, %ge3A_126 : i32
      %convert_element_type3A_128 = arith.extui %ge3A_127 : i1 to i32
      %cond3A_129 = arith.constant 0 : i32
      %cond3A_130 = arith.cmpi ne, %convert_element_type3A_128, %cond3A_129 : i32
      scf.if %cond3A_130 {
        %mul3A_279 = arith.constant 16 : i32
        %mul3A_280 = arith.muli %sub3A_125, %mul3A_279 : i32
        %add3A_281 = arith.addi %mul3A_2, %mul3A_280 : i32
        %multiple_of3A_282 = tpu.assume_multiple %add3A_281, 16 : i32
        %dma_wait3A_283 = arith.constant 3 : i32
        %dma_wait3A_284 = arith.constant 3 : i32
        %dma_wait3A_285 = arith.constant 0 : i32
        %dma_wait3A_286 = arith.constant 0 : i32
        %dma_wait3A_287 = tpu.memref_slice %arg6[%dma_wait3A_283, %dma_wait3A_285, %dma_wait3A_286] : memref<4x16x1024xf32, #tpu.memory_space<vmem>> -> memref<1x16x1024xf32, #tpu.memory_space<vmem>>
        %dma_wait3A_288 = tpu.memref_squeeze %dma_wait3A_287 : memref<1x16x1024xf32, #tpu.memory_space<vmem>> -> memref<16x1024xf32, #tpu.memory_space<vmem>>
        %dma_wait3A_289 = arith.constant 0 : i32
        %dma_wait3A_290 = tpu.memref_slice %arg4[%multiple_of3A_282, %dma_wait3A_289] : memref<32768x1024xf32, #tpu.memory_space<hbm>> -> memref<16x1024xf32, #tpu.memory_space<hbm>>
        %dma_wait3A_291 = tpu.memref_slice %arg8[%dma_wait3A_284] : memref<4x!tpu.dma_semaphore, #tpu.memory_space<semaphore_mem>> -> memref<1x!tpu.dma_semaphore, #tpu.memory_space<semaphore_mem>>
        %dma_wait3A_292 = tpu.memref_squeeze %dma_wait3A_291 : memref<1x!tpu.dma_semaphore, #tpu.memory_space<semaphore_mem>> -> memref<!tpu.dma_semaphore, #tpu.memory_space<semaphore_mem>>
        %dma_wait3A_293 = arith.constant 0 : i32
        %dma_wait3A_294 = tpu.memref_slice %arg4[%multiple_of3A_282, %dma_wait3A_293] : memref<32768x1024xf32, #tpu.memory_space<hbm>> -> memref<16x1024xf32, #tpu.memory_space<hbm>>
        %dma_wait3A_295 = arith.constant 0 : i32
        %dma_wait3A_296 = arith.constant 0 : i32
        %dma_wait3A_297 = tpu.memref_slice %arg6[%dma_wait3A_283, %dma_wait3A_295, %dma_wait3A_296] : memref<4x16x1024xf32, #tpu.memory_space<vmem>> -> memref<1x16x1024xf32, #tpu.memory_space<vmem>>
        %dma_wait3A_298 = tpu.memref_squeeze %dma_wait3A_297 : memref<1x16x1024xf32, #tpu.memory_space<vmem>> -> memref<16x1024xf32, #tpu.memory_space<vmem>>
        tpu.wait_dma2 semaphore(%dma_wait3A_292 : memref<!tpu.dma_semaphore, #tpu.memory_space<semaphore_mem>>) src(%dma_wait3A_298 : memref<16x1024xf32, #tpu.memory_space<vmem>>) dst(%dma_wait3A_294 : memref<16x1024xf32, #tpu.memory_space<hbm>>)
      } else {
      }
      %add3A_131 = arith.constant 4 : i32
      %add3A_132 = arith.addi %sub3A_125, %add3A_131 : i32
      %lt3A_133 = arith.constant 64 : i32
      %lt3A_134 = arith.cmpi slt, %add3A_132, %lt3A_133 : i32
      %convert_element_type3A_135 = arith.extui %lt3A_134 : i1 to i32
      %cond3A_136 = arith.constant 0 : i32
      %cond3A_137 = arith.cmpi ne, %convert_element_type3A_135, %cond3A_136 : i32
      scf.if %cond3A_137 {
        %add3A_279 = arith.constant 4 : i32
        %add3A_280 = arith.addi %sub3A_125, %add3A_279 : i32
        %mul3A_281 = arith.constant 16 : i32
        %mul3A_282 = arith.muli %add3A_280, %mul3A_281 : i32
        %multiple_of3A_283 = tpu.assume_multiple %mul3A_282, 16 : i32
        %dma_start3A_284 = arith.constant 3 : i32
        %dma_start3A_285 = arith.constant 3 : i32
        %dma_start3A_286 = arith.constant 0 : i32
        %dma_start3A_287 = arith.constant 0 : i32
        %dma_start3A_288 = tpu.memref_slice %arg6[%dma_start3A_284, %dma_start3A_286, %dma_start3A_287] : memref<4x16x1024xf32, #tpu.memory_space<vmem>> -> memref<1x16x1024xf32, #tpu.memory_space<vmem>>
        %dma_start3A_289 = tpu.memref_squeeze %dma_start3A_288 : memref<1x16x1024xf32, #tpu.memory_space<vmem>> -> memref<16x1024xf32, #tpu.memory_space<vmem>>
        %dma_start3A_290 = tpu.memref_slice %arg5[%multiple_of3A_283] : memref<1024xi32, #tpu.memory_space<vmem>> -> memref<16xi32, #tpu.memory_space<vmem>>
        %dma_start3A_291 = arith.constant 0 : i32
        %dma_start3A_292 = arith.constant 0 : i32
        %dma_start3A_293 = tpu.memref_slice %arg3[%dma_start3A_291, %dma_start3A_292] : memref<8192x1024xf32, #tpu.memory_space<hbm>> -> memref<8192x1024xf32, #tpu.memory_space<hbm>>
        %dma_start3A_294 = tpu.memref_slice %arg7[%dma_start3A_285] : memref<4x!tpu.dma_semaphore, #tpu.memory_space<semaphore_mem>> -> memref<1x!tpu.dma_semaphore, #tpu.memory_space<semaphore_mem>>
        %dma_start3A_295 = tpu.memref_squeeze %dma_start3A_294 : memref<1x!tpu.dma_semaphore, #tpu.memory_space<semaphore_mem>> -> memref<!tpu.dma_semaphore, #tpu.memory_space<semaphore_mem>>
        tpu.enqueue_indirect_dma source(%dma_start3A_293 : memref<8192x1024xf32, #tpu.memory_space<hbm>>) target(%dma_start3A_289 : memref<16x1024xf32, #tpu.memory_space<vmem>>) offsets(%dma_start3A_290 : memref<16xi32, #tpu.memory_space<vmem>>) semaphore(%dma_start3A_295 : memref<!tpu.dma_semaphore, #tpu.memory_space<semaphore_mem>>)
      } else {
      }
      %mul3A_138 = arith.constant 16 : i32
      %mul3A_139 = arith.muli %add3A_123, %mul3A_138 : i32
      %multiple_of3A_140 = tpu.assume_multiple %mul3A_139, 16 : i32
      %dma_wait3A_141 = arith.constant 1 : i32
      %dma_wait3A_142 = arith.constant 1 : i32
      %dma_wait3A_143 = arith.constant 0 : i32
      %dma_wait3A_144 = arith.constant 0 : i32
      %dma_wait3A_145 = tpu.memref_slice %arg6[%dma_wait3A_141, %dma_wait3A_143, %dma_wait3A_144] : memref<4x16x1024xf32, #tpu.memory_space<vmem>> -> memref<1x16x1024xf32, #tpu.memory_space<vmem>>
      %dma_wait3A_146 = tpu.memref_squeeze %dma_wait3A_145 : memref<1x16x1024xf32, #tpu.memory_space<vmem>> -> memref<16x1024xf32, #tpu.memory_space<vmem>>
      %dma_wait3A_147 = tpu.memref_slice %arg5[%multiple_of3A_140] : memref<1024xi32, #tpu.memory_space<vmem>> -> memref<16xi32, #tpu.memory_space<vmem>>
      %dma_wait3A_148 = arith.constant 0 : i32
      %dma_wait3A_149 = arith.constant 0 : i32
      %dma_wait3A_150 = tpu.memref_slice %arg3[%dma_wait3A_148, %dma_wait3A_149] : memref<8192x1024xf32, #tpu.memory_space<hbm>> -> memref<8192x1024xf32, #tpu.memory_space<hbm>>
      %dma_wait3A_151 = tpu.memref_slice %arg7[%dma_wait3A_142] : memref<4x!tpu.dma_semaphore, #tpu.memory_space<semaphore_mem>> -> memref<1x!tpu.dma_semaphore, #tpu.memory_space<semaphore_mem>>
      %dma_wait3A_152 = tpu.memref_squeeze %dma_wait3A_151 : memref<1x!tpu.dma_semaphore, #tpu.memory_space<semaphore_mem>> -> memref<!tpu.dma_semaphore, #tpu.memory_space<semaphore_mem>>
      tpu.wait_indirect_dma semaphore(%dma_wait3A_152 : memref<!tpu.dma_semaphore, #tpu.memory_space<semaphore_mem>>) src(%dma_wait3A_150 : memref<8192x1024xf32, #tpu.memory_space<hbm>>) dst(%dma_wait3A_146 : memref<16x1024xf32, #tpu.memory_space<vmem>>)
      %mul3A_153 = arith.constant 16 : i32
      %mul3A_154 = arith.muli %add3A_123, %mul3A_153 : i32
      %add3A_155 = arith.addi %mul3A_2, %mul3A_154 : i32
      %multiple_of3A_156 = tpu.assume_multiple %add3A_155, 16 : i32
      %dma_start3A_157 = arith.constant 1 : i32
      %dma_start3A_158 = arith.constant 1 : i32
      %dma_start3A_159 = arith.constant 0 : i32
      %dma_start3A_160 = arith.constant 0 : i32
      %dma_start3A_161 = tpu.memref_slice %arg6[%dma_start3A_157, %dma_start3A_159, %dma_start3A_160] : memref<4x16x1024xf32, #tpu.memory_space<vmem>> -> memref<1x16x1024xf32, #tpu.memory_space<vmem>>
      %dma_start3A_162 = tpu.memref_squeeze %dma_start3A_161 : memref<1x16x1024xf32, #tpu.memory_space<vmem>> -> memref<16x1024xf32, #tpu.memory_space<vmem>>
      %dma_start3A_163 = arith.constant 0 : i32
      %dma_start3A_164 = tpu.memref_slice %arg4[%multiple_of3A_156, %dma_start3A_163] : memref<32768x1024xf32, #tpu.memory_space<hbm>> -> memref<16x1024xf32, #tpu.memory_space<hbm>>
      %dma_start3A_165 = tpu.memref_slice %arg8[%dma_start3A_158] : memref<4x!tpu.dma_semaphore, #tpu.memory_space<semaphore_mem>> -> memref<1x!tpu.dma_semaphore, #tpu.memory_space<semaphore_mem>>
      %dma_start3A_166 = tpu.memref_squeeze %dma_start3A_165 : memref<1x!tpu.dma_semaphore, #tpu.memory_space<semaphore_mem>> -> memref<!tpu.dma_semaphore, #tpu.memory_space<semaphore_mem>>
      %dma_start3A_167 = arith.constant 0 : i32
      %dma_start3A_168 = tpu.memref_slice %arg4[%multiple_of3A_156, %dma_start3A_167] : memref<32768x1024xf32, #tpu.memory_space<hbm>> -> memref<16x1024xf32, #tpu.memory_space<hbm>>
      %dma_start3A_169 = arith.constant 0 : i32
      %dma_start3A_170 = arith.constant 0 : i32
      %dma_start3A_171 = tpu.memref_slice %arg6[%dma_start3A_157, %dma_start3A_169, %dma_start3A_170] : memref<4x16x1024xf32, #tpu.memory_space<vmem>> -> memref<1x16x1024xf32, #tpu.memory_space<vmem>>
      %dma_start3A_172 = tpu.memref_squeeze %dma_start3A_171 : memref<1x16x1024xf32, #tpu.memory_space<vmem>> -> memref<16x1024xf32, #tpu.memory_space<vmem>>
      tpu.enqueue_dma source(%dma_start3A_172 : memref<16x1024xf32, #tpu.memory_space<vmem>>) target(%dma_start3A_168 : memref<16x1024xf32, #tpu.memory_space<hbm>>) target_semaphore(%dma_start3A_166 : memref<!tpu.dma_semaphore, #tpu.memory_space<semaphore_mem>>)
      %mul3A_173 = arith.constant 4 : i32
      %mul3A_174 = arith.muli %mul3A_173, %scan3A_71 : i32
      %add3A_175 = arith.constant 2 : i32
      %add3A_176 = arith.addi %mul3A_174, %add3A_175 : i32
      %sub3A_177 = arith.constant 2 : i32
      %sub3A_178 = arith.subi %add3A_176, %sub3A_177 : i32
      %ge3A_179 = arith.constant 0 : i32
      %ge3A_180 = arith.cmpi sge, %sub3A_178, %ge3A_179 : i32
      %convert_element_type3A_181 = arith.extui %ge3A_180 : i1 to i32
      %cond3A_182 = arith.constant 0 : i32
      %cond3A_183 = arith.cmpi ne, %convert_element_type3A_181, %cond3A_182 : i32
      scf.if %cond3A_183 {
        %mul3A_279 = arith.constant 16 : i32
        %mul3A_280 = arith.muli %sub3A_178, %mul3A_279 : i32
        %add3A_281 = arith.addi %mul3A_2, %mul3A_280 : i32
        %multiple_of3A_282 = tpu.assume_multiple %add3A_281, 16 : i32
        %dma_wait3A_283 = arith.constant 0 : i32
        %dma_wait3A_284 = arith.constant 0 : i32
        %dma_wait3A_285 = arith.constant 0 : i32
        %dma_wait3A_286 = arith.constant 0 : i32
        %dma_wait3A_287 = tpu.memref_slice %arg6[%dma_wait3A_283, %dma_wait3A_285, %dma_wait3A_286] : memref<4x16x1024xf32, #tpu.memory_space<vmem>> -> memref<1x16x1024xf32, #tpu.memory_space<vmem>>
        %dma_wait3A_288 = tpu.memref_squeeze %dma_wait3A_287 : memref<1x16x1024xf32, #tpu.memory_space<vmem>> -> memref<16x1024xf32, #tpu.memory_space<vmem>>
        %dma_wait3A_289 = arith.constant 0 : i32
        %dma_wait3A_290 = tpu.memref_slice %arg4[%multiple_of3A_282, %dma_wait3A_289] : memref<32768x1024xf32, #tpu.memory_space<hbm>> -> memref<16x1024xf32, #tpu.memory_space<hbm>>
        %dma_wait3A_291 = tpu.memref_slice %arg8[%dma_wait3A_284] : memref<4x!tpu.dma_semaphore, #tpu.memory_space<semaphore_mem>> -> memref<1x!tpu.dma_semaphore, #tpu.memory_space<semaphore_mem>>
        %dma_wait3A_292 = tpu.memref_squeeze %dma_wait3A_291 : memref<1x!tpu.dma_semaphore, #tpu.memory_space<semaphore_mem>> -> memref<!tpu.dma_semaphore, #tpu.memory_space<semaphore_mem>>
        %dma_wait3A_293 = arith.constant 0 : i32
        %dma_wait3A_294 = tpu.memref_slice %arg4[%multiple_of3A_282, %dma_wait3A_293] : memref<32768x1024xf32, #tpu.memory_space<hbm>> -> memref<16x1024xf32, #tpu.memory_space<hbm>>
        %dma_wait3A_295 = arith.constant 0 : i32
        %dma_wait3A_296 = arith.constant 0 : i32
        %dma_wait3A_297 = tpu.memref_slice %arg6[%dma_wait3A_283, %dma_wait3A_295, %dma_wait3A_296] : memref<4x16x1024xf32, #tpu.memory_space<vmem>> -> memref<1x16x1024xf32, #tpu.memory_space<vmem>>
        %dma_wait3A_298 = tpu.memref_squeeze %dma_wait3A_297 : memref<1x16x1024xf32, #tpu.memory_space<vmem>> -> memref<16x1024xf32, #tpu.memory_space<vmem>>
        tpu.wait_dma2 semaphore(%dma_wait3A_292 : memref<!tpu.dma_semaphore, #tpu.memory_space<semaphore_mem>>) src(%dma_wait3A_298 : memref<16x1024xf32, #tpu.memory_space<vmem>>) dst(%dma_wait3A_294 : memref<16x1024xf32, #tpu.memory_space<hbm>>)
      } else {
      }
      %add3A_184 = arith.constant 4 : i32
      %add3A_185 = arith.addi %sub3A_178, %add3A_184 : i32
      %lt3A_186 = arith.constant 64 : i32
      %lt3A_187 = arith.cmpi slt, %add3A_185, %lt3A_186 : i32
      %convert_element_type3A_188 = arith.extui %lt3A_187 : i1 to i32
      %cond3A_189 = arith.constant 0 : i32
      %cond3A_190 = arith.cmpi ne, %convert_element_type3A_188, %cond3A_189 : i32
      scf.if %cond3A_190 {
        %add3A_279 = arith.constant 4 : i32
        %add3A_280 = arith.addi %sub3A_178, %add3A_279 : i32
        %mul3A_281 = arith.constant 16 : i32
        %mul3A_282 = arith.muli %add3A_280, %mul3A_281 : i32
        %multiple_of3A_283 = tpu.assume_multiple %mul3A_282, 16 : i32
        %dma_start3A_284 = arith.constant 0 : i32
        %dma_start3A_285 = arith.constant 0 : i32
        %dma_start3A_286 = arith.constant 0 : i32
        %dma_start3A_287 = arith.constant 0 : i32
        %dma_start3A_288 = tpu.memref_slice %arg6[%dma_start3A_284, %dma_start3A_286, %dma_start3A_287] : memref<4x16x1024xf32, #tpu.memory_space<vmem>> -> memref<1x16x1024xf32, #tpu.memory_space<vmem>>
        %dma_start3A_289 = tpu.memref_squeeze %dma_start3A_288 : memref<1x16x1024xf32, #tpu.memory_space<vmem>> -> memref<16x1024xf32, #tpu.memory_space<vmem>>
        %dma_start3A_290 = tpu.memref_slice %arg5[%multiple_of3A_283] : memref<1024xi32, #tpu.memory_space<vmem>> -> memref<16xi32, #tpu.memory_space<vmem>>
        %dma_start3A_291 = arith.constant 0 : i32
        %dma_start3A_292 = arith.constant 0 : i32
        %dma_start3A_293 = tpu.memref_slice %arg3[%dma_start3A_291, %dma_start3A_292] : memref<8192x1024xf32, #tpu.memory_space<hbm>> -> memref<8192x1024xf32, #tpu.memory_space<hbm>>
        %dma_start3A_294 = tpu.memref_slice %arg7[%dma_start3A_285] : memref<4x!tpu.dma_semaphore, #tpu.memory_space<semaphore_mem>> -> memref<1x!tpu.dma_semaphore, #tpu.memory_space<semaphore_mem>>
        %dma_start3A_295 = tpu.memref_squeeze %dma_start3A_294 : memref<1x!tpu.dma_semaphore, #tpu.memory_space<semaphore_mem>> -> memref<!tpu.dma_semaphore, #tpu.memory_space<semaphore_mem>>
        tpu.enqueue_indirect_dma source(%dma_start3A_293 : memref<8192x1024xf32, #tpu.memory_space<hbm>>) target(%dma_start3A_289 : memref<16x1024xf32, #tpu.memory_space<vmem>>) offsets(%dma_start3A_290 : memref<16xi32, #tpu.memory_space<vmem>>) semaphore(%dma_start3A_295 : memref<!tpu.dma_semaphore, #tpu.memory_space<semaphore_mem>>)
      } else {
      }
      %mul3A_191 = arith.constant 16 : i32
      %mul3A_192 = arith.muli %add3A_176, %mul3A_191 : i32
      %multiple_of3A_193 = tpu.assume_multiple %mul3A_192, 16 : i32
      %dma_wait3A_194 = arith.constant 2 : i32
      %dma_wait3A_195 = arith.constant 2 : i32
      %dma_wait3A_196 = arith.constant 0 : i32
      %dma_wait3A_197 = arith.constant 0 : i32
      %dma_wait3A_198 = tpu.memref_slice %arg6[%dma_wait3A_194, %dma_wait3A_196, %dma_wait3A_197] : memref<4x16x1024xf32, #tpu.memory_space<vmem>> -> memref<1x16x1024xf32, #tpu.memory_space<vmem>>
      %dma_wait3A_199 = tpu.memref_squeeze %dma_wait3A_198 : memref<1x16x1024xf32, #tpu.memory_space<vmem>> -> memref<16x1024xf32, #tpu.memory_space<vmem>>
      %dma_wait3A_200 = tpu.memref_slice %arg5[%multiple_of3A_193] : memref<1024xi32, #tpu.memory_space<vmem>> -> memref<16xi32, #tpu.memory_space<vmem>>
      %dma_wait3A_201 = arith.constant 0 : i32
      %dma_wait3A_202 = arith.constant 0 : i32
      %dma_wait3A_203 = tpu.memref_slice %arg3[%dma_wait3A_201, %dma_wait3A_202] : memref<8192x1024xf32, #tpu.memory_space<hbm>> -> memref<8192x1024xf32, #tpu.memory_space<hbm>>
      %dma_wait3A_204 = tpu.memref_slice %arg7[%dma_wait3A_195] : memref<4x!tpu.dma_semaphore, #tpu.memory_space<semaphore_mem>> -> memref<1x!tpu.dma_semaphore, #tpu.memory_space<semaphore_mem>>
      %dma_wait3A_205 = tpu.memref_squeeze %dma_wait3A_204 : memref<1x!tpu.dma_semaphore, #tpu.memory_space<semaphore_mem>> -> memref<!tpu.dma_semaphore, #tpu.memory_space<semaphore_mem>>
      tpu.wait_indirect_dma semaphore(%dma_wait3A_205 : memref<!tpu.dma_semaphore, #tpu.memory_space<semaphore_mem>>) src(%dma_wait3A_203 : memref<8192x1024xf32, #tpu.memory_space<hbm>>) dst(%dma_wait3A_199 : memref<16x1024xf32, #tpu.memory_space<vmem>>)
      %mul3A_206 = arith.constant 16 : i32
      %mul3A_207 = arith.muli %add3A_176, %mul3A_206 : i32
      %add3A_208 = arith.addi %mul3A_2, %mul3A_207 : i32
      %multiple_of3A_209 = tpu.assume_multiple %add3A_208, 16 : i32
      %dma_start3A_210 = arith.constant 2 : i32
      %dma_start3A_211 = arith.constant 2 : i32
      %dma_start3A_212 = arith.constant 0 : i32
      %dma_start3A_213 = arith.constant 0 : i32
      %dma_start3A_214 = tpu.memref_slice %arg6[%dma_start3A_210, %dma_start3A_212, %dma_start3A_213] : memref<4x16x1024xf32, #tpu.memory_space<vmem>> -> memref<1x16x1024xf32, #tpu.memory_space<vmem>>
      %dma_start3A_215 = tpu.memref_squeeze %dma_start3A_214 : memref<1x16x1024xf32, #tpu.memory_space<vmem>> -> memref<16x1024xf32, #tpu.memory_space<vmem>>
      %dma_start3A_216 = arith.constant 0 : i32
      %dma_start3A_217 = tpu.memref_slice %arg4[%multiple_of3A_209, %dma_start3A_216] : memref<32768x1024xf32, #tpu.memory_space<hbm>> -> memref<16x1024xf32, #tpu.memory_space<hbm>>
      %dma_start3A_218 = tpu.memref_slice %arg8[%dma_start3A_211] : memref<4x!tpu.dma_semaphore, #tpu.memory_space<semaphore_mem>> -> memref<1x!tpu.dma_semaphore, #tpu.memory_space<semaphore_mem>>
      %dma_start3A_219 = tpu.memref_squeeze %dma_start3A_218 : memref<1x!tpu.dma_semaphore, #tpu.memory_space<semaphore_mem>> -> memref<!tpu.dma_semaphore, #tpu.memory_space<semaphore_mem>>
      %dma_start3A_220 = arith.constant 0 : i32
      %dma_start3A_221 = tpu.memref_slice %arg4[%multiple_of3A_209, %dma_start3A_220] : memref<32768x1024xf32, #tpu.memory_space<hbm>> -> memref<16x1024xf32, #tpu.memory_space<hbm>>
      %dma_start3A_222 = arith.constant 0 : i32
      %dma_start3A_223 = arith.constant 0 : i32
      %dma_start3A_224 = tpu.memref_slice %arg6[%dma_start3A_210, %dma_start3A_222, %dma_start3A_223] : memref<4x16x1024xf32, #tpu.memory_space<vmem>> -> memref<1x16x1024xf32, #tpu.memory_space<vmem>>
      %dma_start3A_225 = tpu.memref_squeeze %dma_start3A_224 : memref<1x16x1024xf32, #tpu.memory_space<vmem>> -> memref<16x1024xf32, #tpu.memory_space<vmem>>
      tpu.enqueue_dma source(%dma_start3A_225 : memref<16x1024xf32, #tpu.memory_space<vmem>>) target(%dma_start3A_221 : memref<16x1024xf32, #tpu.memory_space<hbm>>) target_semaphore(%dma_start3A_219 : memref<!tpu.dma_semaphore, #tpu.memory_space<semaphore_mem>>)
      %mul3A_226 = arith.constant 4 : i32
      %mul3A_227 = arith.muli %mul3A_226, %scan3A_71 : i32
      %add3A_228 = arith.constant 3 : i32
      %add3A_229 = arith.addi %mul3A_227, %add3A_228 : i32
      %sub3A_230 = arith.constant 2 : i32
      %sub3A_231 = arith.subi %add3A_229, %sub3A_230 : i32
      %ge3A_232 = arith.constant 0 : i32
      %ge3A_233 = arith.cmpi sge, %sub3A_231, %ge3A_232 : i32
      %convert_element_type3A_234 = arith.extui %ge3A_233 : i1 to i32
      %cond3A_235 = arith.constant 0 : i32
      %cond3A_236 = arith.cmpi ne, %convert_element_type3A_234, %cond3A_235 : i32
      scf.if %cond3A_236 {
        %mul3A_279 = arith.constant 16 : i32
        %mul3A_280 = arith.muli %sub3A_231, %mul3A_279 : i32
        %add3A_281 = arith.addi %mul3A_2, %mul3A_280 : i32
        %multiple_of3A_282 = tpu.assume_multiple %add3A_281, 16 : i32
        %dma_wait3A_283 = arith.constant 1 : i32
        %dma_wait3A_284 = arith.constant 1 : i32
        %dma_wait3A_285 = arith.constant 0 : i32
        %dma_wait3A_286 = arith.constant 0 : i32
        %dma_wait3A_287 = tpu.memref_slice %arg6[%dma_wait3A_283, %dma_wait3A_285, %dma_wait3A_286] : memref<4x16x1024xf32, #tpu.memory_space<vmem>> -> memref<1x16x1024xf32, #tpu.memory_space<vmem>>
        %dma_wait3A_288 = tpu.memref_squeeze %dma_wait3A_287 : memref<1x16x1024xf32, #tpu.memory_space<vmem>> -> memref<16x1024xf32, #tpu.memory_space<vmem>>
        %dma_wait3A_289 = arith.constant 0 : i32
        %dma_wait3A_290 = tpu.memref_slice %arg4[%multiple_of3A_282, %dma_wait3A_289] : memref<32768x1024xf32, #tpu.memory_space<hbm>> -> memref<16x1024xf32, #tpu.memory_space<hbm>>
        %dma_wait3A_291 = tpu.memref_slice %arg8[%dma_wait3A_284] : memref<4x!tpu.dma_semaphore, #tpu.memory_space<semaphore_mem>> -> memref<1x!tpu.dma_semaphore, #tpu.memory_space<semaphore_mem>>
        %dma_wait3A_292 = tpu.memref_squeeze %dma_wait3A_291 : memref<1x!tpu.dma_semaphore, #tpu.memory_space<semaphore_mem>> -> memref<!tpu.dma_semaphore, #tpu.memory_space<semaphore_mem>>
        %dma_wait3A_293 = arith.constant 0 : i32
        %dma_wait3A_294 = tpu.memref_slice %arg4[%multiple_of3A_282, %dma_wait3A_293] : memref<32768x1024xf32, #tpu.memory_space<hbm>> -> memref<16x1024xf32, #tpu.memory_space<hbm>>
        %dma_wait3A_295 = arith.constant 0 : i32
        %dma_wait3A_296 = arith.constant 0 : i32
        %dma_wait3A_297 = tpu.memref_slice %arg6[%dma_wait3A_283, %dma_wait3A_295, %dma_wait3A_296] : memref<4x16x1024xf32, #tpu.memory_space<vmem>> -> memref<1x16x1024xf32, #tpu.memory_space<vmem>>
        %dma_wait3A_298 = tpu.memref_squeeze %dma_wait3A_297 : memref<1x16x1024xf32, #tpu.memory_space<vmem>> -> memref<16x1024xf32, #tpu.memory_space<vmem>>
        tpu.wait_dma2 semaphore(%dma_wait3A_292 : memref<!tpu.dma_semaphore, #tpu.memory_space<semaphore_mem>>) src(%dma_wait3A_298 : memref<16x1024xf32, #tpu.memory_space<vmem>>) dst(%dma_wait3A_294 : memref<16x1024xf32, #tpu.memory_space<hbm>>)
      } else {
      }
      %add3A_237 = arith.constant 4 : i32
      %add3A_238 = arith.addi %sub3A_231, %add3A_237 : i32
      %lt3A_239 = arith.constant 64 : i32
      %lt3A_240 = arith.cmpi slt, %add3A_238, %lt3A_239 : i32
      %convert_element_type3A_241 = arith.extui %lt3A_240 : i1 to i32
      %cond3A_242 = arith.constant 0 : i32
      %cond3A_243 = arith.cmpi ne, %convert_element_type3A_241, %cond3A_242 : i32
      scf.if %cond3A_243 {
        %add3A_279 = arith.constant 4 : i32
        %add3A_280 = arith.addi %sub3A_231, %add3A_279 : i32
        %mul3A_281 = arith.constant 16 : i32
        %mul3A_282 = arith.muli %add3A_280, %mul3A_281 : i32
        %multiple_of3A_283 = tpu.assume_multiple %mul3A_282, 16 : i32
        %dma_start3A_284 = arith.constant 1 : i32
        %dma_start3A_285 = arith.constant 1 : i32
        %dma_start3A_286 = arith.constant 0 : i32
        %dma_start3A_287 = arith.constant 0 : i32
        %dma_start3A_288 = tpu.memref_slice %arg6[%dma_start3A_284, %dma_start3A_286, %dma_start3A_287] : memref<4x16x1024xf32, #tpu.memory_space<vmem>> -> memref<1x16x1024xf32, #tpu.memory_space<vmem>>
        %dma_start3A_289 = tpu.memref_squeeze %dma_start3A_288 : memref<1x16x1024xf32, #tpu.memory_space<vmem>> -> memref<16x1024xf32, #tpu.memory_space<vmem>>
        %dma_start3A_290 = tpu.memref_slice %arg5[%multiple_of3A_283] : memref<1024xi32, #tpu.memory_space<vmem>> -> memref<16xi32, #tpu.memory_space<vmem>>
        %dma_start3A_291 = arith.constant 0 : i32
        %dma_start3A_292 = arith.constant 0 : i32
        %dma_start3A_293 = tpu.memref_slice %arg3[%dma_start3A_291, %dma_start3A_292] : memref<8192x1024xf32, #tpu.memory_space<hbm>> -> memref<8192x1024xf32, #tpu.memory_space<hbm>>
        %dma_start3A_294 = tpu.memref_slice %arg7[%dma_start3A_285] : memref<4x!tpu.dma_semaphore, #tpu.memory_space<semaphore_mem>> -> memref<1x!tpu.dma_semaphore, #tpu.memory_space<semaphore_mem>>
        %dma_start3A_295 = tpu.memref_squeeze %dma_start3A_294 : memref<1x!tpu.dma_semaphore, #tpu.memory_space<semaphore_mem>> -> memref<!tpu.dma_semaphore, #tpu.memory_space<semaphore_mem>>
        tpu.enqueue_indirect_dma source(%dma_start3A_293 : memref<8192x1024xf32, #tpu.memory_space<hbm>>) target(%dma_start3A_289 : memref<16x1024xf32, #tpu.memory_space<vmem>>) offsets(%dma_start3A_290 : memref<16xi32, #tpu.memory_space<vmem>>) semaphore(%dma_start3A_295 : memref<!tpu.dma_semaphore, #tpu.memory_space<semaphore_mem>>)
      } else {
      }
      %mul3A_244 = arith.constant 16 : i32
      %mul3A_245 = arith.muli %add3A_229, %mul3A_244 : i32
      %multiple_of3A_246 = tpu.assume_multiple %mul3A_245, 16 : i32
      %dma_wait3A_247 = arith.constant 3 : i32
      %dma_wait3A_248 = arith.constant 3 : i32
      %dma_wait3A_249 = arith.constant 0 : i32
      %dma_wait3A_250 = arith.constant 0 : i32
      %dma_wait3A_251 = tpu.memref_slice %arg6[%dma_wait3A_247, %dma_wait3A_249, %dma_wait3A_250] : memref<4x16x1024xf32, #tpu.memory_space<vmem>> -> memref<1x16x1024xf32, #tpu.memory_space<vmem>>
      %dma_wait3A_252 = tpu.memref_squeeze %dma_wait3A_251 : memref<1x16x1024xf32, #tpu.memory_space<vmem>> -> memref<16x1024xf32, #tpu.memory_space<vmem>>
      %dma_wait3A_253 = tpu.memref_slice %arg5[%multiple_of3A_246] : memref<1024xi32, #tpu.memory_space<vmem>> -> memref<16xi32, #tpu.memory_space<vmem>>
      %dma_wait3A_254 = arith.constant 0 : i32
      %dma_wait3A_255 = arith.constant 0 : i32
      %dma_wait3A_256 = tpu.memref_slice %arg3[%dma_wait3A_254, %dma_wait3A_255] : memref<8192x1024xf32, #tpu.memory_space<hbm>> -> memref<8192x1024xf32, #tpu.memory_space<hbm>>
      %dma_wait3A_257 = tpu.memref_slice %arg7[%dma_wait3A_248] : memref<4x!tpu.dma_semaphore, #tpu.memory_space<semaphore_mem>> -> memref<1x!tpu.dma_semaphore, #tpu.memory_space<semaphore_mem>>
      %dma_wait3A_258 = tpu.memref_squeeze %dma_wait3A_257 : memref<1x!tpu.dma_semaphore, #tpu.memory_space<semaphore_mem>> -> memref<!tpu.dma_semaphore, #tpu.memory_space<semaphore_mem>>
      tpu.wait_indirect_dma semaphore(%dma_wait3A_258 : memref<!tpu.dma_semaphore, #tpu.memory_space<semaphore_mem>>) src(%dma_wait3A_256 : memref<8192x1024xf32, #tpu.memory_space<hbm>>) dst(%dma_wait3A_252 : memref<16x1024xf32, #tpu.memory_space<vmem>>)
      %mul3A_259 = arith.constant 16 : i32
      %mul3A_260 = arith.muli %add3A_229, %mul3A_259 : i32
      %add3A_261 = arith.addi %mul3A_2, %mul3A_260 : i32
      %multiple_of3A_262 = tpu.assume_multiple %add3A_261, 16 : i32
      %dma_start3A_263 = arith.constant 3 : i32
      %dma_start3A_264 = arith.constant 3 : i32
      %dma_start3A_265 = arith.constant 0 : i32
      %dma_start3A_266 = arith.constant 0 : i32
      %dma_start3A_267 = tpu.memref_slice %arg6[%dma_start3A_263, %dma_start3A_265, %dma_start3A_266] : memref<4x16x1024xf32, #tpu.memory_space<vmem>> -> memref<1x16x1024xf32, #tpu.memory_space<vmem>>
      %dma_start3A_268 = tpu.memref_squeeze %dma_start3A_267 : memref<1x16x1024xf32, #tpu.memory_space<vmem>> -> memref<16x1024xf32, #tpu.memory_space<vmem>>
      %dma_start3A_269 = arith.constant 0 : i32
      %dma_start3A_270 = tpu.memref_slice %arg4[%multiple_of3A_262, %dma_start3A_269] : memref<32768x1024xf32, #tpu.memory_space<hbm>> -> memref<16x1024xf32, #tpu.memory_space<hbm>>
      %dma_start3A_271 = tpu.memref_slice %arg8[%dma_start3A_264] : memref<4x!tpu.dma_semaphore, #tpu.memory_space<semaphore_mem>> -> memref<1x!tpu.dma_semaphore, #tpu.memory_space<semaphore_mem>>
      %dma_start3A_272 = tpu.memref_squeeze %dma_start3A_271 : memref<1x!tpu.dma_semaphore, #tpu.memory_space<semaphore_mem>> -> memref<!tpu.dma_semaphore, #tpu.memory_space<semaphore_mem>>
      %dma_start3A_273 = arith.constant 0 : i32
      %dma_start3A_274 = tpu.memref_slice %arg4[%multiple_of3A_262, %dma_start3A_273] : memref<32768x1024xf32, #tpu.memory_space<hbm>> -> memref<16x1024xf32, #tpu.memory_space<hbm>>
      %dma_start3A_275 = arith.constant 0 : i32
      %dma_start3A_276 = arith.constant 0 : i32
      %dma_start3A_277 = tpu.memref_slice %arg6[%dma_start3A_263, %dma_start3A_275, %dma_start3A_276] : memref<4x16x1024xf32, #tpu.memory_space<vmem>> -> memref<1x16x1024xf32, #tpu.memory_space<vmem>>
      %dma_start3A_278 = tpu.memref_squeeze %dma_start3A_277 : memref<1x16x1024xf32, #tpu.memory_space<vmem>> -> memref<16x1024xf32, #tpu.memory_space<vmem>>
      tpu.enqueue_dma source(%dma_start3A_278 : memref<16x1024xf32, #tpu.memory_space<vmem>>) target(%dma_start3A_274 : memref<16x1024xf32, #tpu.memory_space<hbm>>) target_semaphore(%dma_start3A_272 : memref<!tpu.dma_semaphore, #tpu.memory_space<semaphore_mem>>)
    }
    %scan3A_33 = arith.constant 16 : i32
    %add3A_34 = arith.constant 992 : i32
    %add3A_35 = arith.addi %mul3A_2, %add3A_34 : i32
    %multiple_of3A_36 = tpu.assume_multiple %add3A_35, 16 : i32
    %dma_wait3A = arith.constant 2 : i32
    %dma_wait3A_37 = arith.constant 2 : i32
    %dma_wait3A_38 = arith.constant 0 : i32
    %dma_wait3A_39 = arith.constant 0 : i32
    %dma_wait3A_40 = tpu.memref_slice %arg6[%dma_wait3A, %dma_wait3A_38, %dma_wait3A_39] : memref<4x16x1024xf32, #tpu.memory_space<vmem>> -> memref<1x16x1024xf32, #tpu.memory_space<vmem>>
    %dma_wait3A_41 = tpu.memref_squeeze %dma_wait3A_40 : memref<1x16x1024xf32, #tpu.memory_space<vmem>> -> memref<16x1024xf32, #tpu.memory_space<vmem>>
    %dma_wait3A_42 = arith.constant 0 : i32
    %dma_wait3A_43 = tpu.memref_slice %arg4[%multiple_of3A_36, %dma_wait3A_42] : memref<32768x1024xf32, #tpu.memory_space<hbm>> -> memref<16x1024xf32, #tpu.memory_space<hbm>>
    %dma_wait3A_44 = tpu.memref_slice %arg8[%dma_wait3A_37] : memref<4x!tpu.dma_semaphore, #tpu.memory_space<semaphore_mem>> -> memref<1x!tpu.dma_semaphore, #tpu.memory_space<semaphore_mem>>
    %dma_wait3A_45 = tpu.memref_squeeze %dma_wait3A_44 : memref<1x!tpu.dma_semaphore, #tpu.memory_space<semaphore_mem>> -> memref<!tpu.dma_semaphore, #tpu.memory_space<semaphore_mem>>
    %dma_wait3A_46 = arith.constant 0 : i32
    %dma_wait3A_47 = tpu.memref_slice %arg4[%multiple_of3A_36, %dma_wait3A_46] : memref<32768x1024xf32, #tpu.memory_space<hbm>> -> memref<16x1024xf32, #tpu.memory_space<hbm>>
    %dma_wait3A_48 = arith.constant 0 : i32
    %dma_wait3A_49 = arith.constant 0 : i32
    %dma_wait3A_50 = tpu.memref_slice %arg6[%dma_wait3A, %dma_wait3A_48, %dma_wait3A_49] : memref<4x16x1024xf32, #tpu.memory_space<vmem>> -> memref<1x16x1024xf32, #tpu.memory_space<vmem>>
    %dma_wait3A_51 = tpu.memref_squeeze %dma_wait3A_50 : memref<1x16x1024xf32, #tpu.memory_space<vmem>> -> memref<16x1024xf32, #tpu.memory_space<vmem>>
    tpu.wait_dma2 semaphore(%dma_wait3A_45 : memref<!tpu.dma_semaphore, #tpu.memory_space<semaphore_mem>>) src(%dma_wait3A_51 : memref<16x1024xf32, #tpu.memory_space<vmem>>) dst(%dma_wait3A_47 : memref<16x1024xf32, #tpu.memory_space<hbm>>)
    %add3A_52 = arith.constant 1008 : i32
    %add3A_53 = arith.addi %mul3A_2, %add3A_52 : i32
    %multiple_of3A_54 = tpu.assume_multiple %add3A_53, 16 : i32
    %dma_wait3A_55 = arith.constant 3 : i32
    %dma_wait3A_56 = arith.constant 3 : i32
    %dma_wait3A_57 = arith.constant 0 : i32
    %dma_wait3A_58 = arith.constant 0 : i32
    %dma_wait3A_59 = tpu.memref_slice %arg6[%dma_wait3A_55, %dma_wait3A_57, %dma_wait3A_58] : memref<4x16x1024xf32, #tpu.memory_space<vmem>> -> memref<1x16x1024xf32, #tpu.memory_space<vmem>>
    %dma_wait3A_60 = tpu.memref_squeeze %dma_wait3A_59 : memref<1x16x1024xf32, #tpu.memory_space<vmem>> -> memref<16x1024xf32, #tpu.memory_space<vmem>>
    %dma_wait3A_61 = arith.constant 0 : i32
    %dma_wait3A_62 = tpu.memref_slice %arg4[%multiple_of3A_54, %dma_wait3A_61] : memref<32768x1024xf32, #tpu.memory_space<hbm>> -> memref<16x1024xf32, #tpu.memory_space<hbm>>
    %dma_wait3A_63 = tpu.memref_slice %arg8[%dma_wait3A_56] : memref<4x!tpu.dma_semaphore, #tpu.memory_space<semaphore_mem>> -> memref<1x!tpu.dma_semaphore, #tpu.memory_space<semaphore_mem>>
    %dma_wait3A_64 = tpu.memref_squeeze %dma_wait3A_63 : memref<1x!tpu.dma_semaphore, #tpu.memory_space<semaphore_mem>> -> memref<!tpu.dma_semaphore, #tpu.memory_space<semaphore_mem>>
    %dma_wait3A_65 = arith.constant 0 : i32
    %dma_wait3A_66 = tpu.memref_slice %arg4[%multiple_of3A_54, %dma_wait3A_65] : memref<32768x1024xf32, #tpu.memory_space<hbm>> -> memref<16x1024xf32, #tpu.memory_space<hbm>>
    %dma_wait3A_67 = arith.constant 0 : i32
    %dma_wait3A_68 = arith.constant 0 : i32
    %dma_wait3A_69 = tpu.memref_slice %arg6[%dma_wait3A_55, %dma_wait3A_67, %dma_wait3A_68] : memref<4x16x1024xf32, #tpu.memory_space<vmem>> -> memref<1x16x1024xf32, #tpu.memory_space<vmem>>
    %dma_wait3A_70 = tpu.memref_squeeze %dma_wait3A_69 : memref<1x16x1024xf32, #tpu.memory_space<vmem>> -> memref<16x1024xf32, #tpu.memory_space<vmem>>
    tpu.wait_dma2 semaphore(%dma_wait3A_64 : memref<!tpu.dma_semaphore, #tpu.memory_space<semaphore_mem>>) src(%dma_wait3A_70 : memref<16x1024xf32, #tpu.memory_space<vmem>>) dst(%dma_wait3A_66 : memref<16x1024xf32, #tpu.memory_space<hbm>>)
    return
  }
}

</mosaic_0001>

<sc_bundles>
// kernel: kernel.3.cloned.1.call-start
scs
__scs_entry_jumppad:
0x0: {  	(pc) =	sbr.rel $0x88, $3  }
0x1: {  	(tag) =	ssettag $0x0;
	lr =	simm.s32 $0x1  }
0x2: {  	[smem:$0x3F9F] =	sst lr;
	_ =	strace $0xD0000000  }
0x3: {  	_ = 	snop  }
0x4: {  	_ = 	snop  }
0x5: {  	_ = 	snop  }
0x6: {  	_ = 	snop  }
0x7: {  	_ = 	snop  }
__scs_overlays_trampoline_lowered:
0x8: {  	[smem:$0x3FAE] =	sst s0  }
0x9: {  	[smem:$0x3FAF] =	sst s1  }
0xa: {  	[smem:$0x3FB0] =	sst s2  }
0xb: {  	[smem:$0x3FB1] =	sst s3  }
0xc: {  	[smem:$0x3FB2] =	sst s4  }
0xd: {  	[smem:$0x3FB3] =	sst s5  }
0xe: {  	[smem:$0x3FB4] =	sst s6  }
0xf: {  	[smem:$0x3FB5] =	sst s7  }
0x10: {  	[smem:$0x3FB6] =	sst s8  }
0x11: {  	[smem:$0x3FB7] =	sst s9;
	s0 =	simm.s32 @!p0 $0x0  }
0x12: {  	s1 =	sld [smem:$0x3F9D];
	s0 =	simm.s32 @p0 $0x1  }
0x13: {  	[smem:$0x3FB8] =	sst s0;
	s0 =	simm.s32 @!p1 $0x0  }
0x14: {  	s2 =	sld [smem:$0x3F9C];
	s0 =	simm.s32 @p1 $0x1  }
0x15: {  	[smem:$0x3FB9] =	sst s0;
	s0 =	simm.s32 @!p2 $0x0  }
0x16: {  	s3 =	sld [smem:$0x3FDB];
	s0 =	simm.s32 @p2 $0x1  }
0x17: {  	s4 =	simm.s32 $0x1BF5;
	[smem:$0x3FBB] =	sst s0  }
0x18: {  	s0 =	sld [smem:$0x3F9E];
	_ =	swait.ge [sflag:s4], $0x0  }
0x19: {  	s7 =	sld [smem:$0x3F9F]  }
0x1a: {  	s8 =	sadd.s32 $0xFFFFE003, lr  }
0x1b: {  	s9 =	sadd.s32 $0xFFFFFEF7, lr;
	s5 =	simm.s32 $0xFFFFFFFF;
	p2 =	slt.u32 s8, $0xFFFFF086  }
0x1c: {  	p1 =	slt.u32 s9, $0xF7A;
	s5 =	simm.s32 @!p2 $0x0  }
0x1d: {  	s5 =	simm.s32 @p1 $0x1;
	p0 =	seq.s32 s7, s2  }
0x1e: {  	s7 =	smul.u32 @!p0 $0xF7A, s2;
	p2 =	seq.s32 @!p0 s5, $0x0  }
0x1f: {  	s9 =	smul.u32 $0xF7A, s1;
	s8 =	simm.s32 @!p0 $0x1BF5;
	p2 =	por !p2, p0  }
0x20: {  	[sflag:s8] =	ssyncset.s32 @!p0 $0xFFFFF086;
	s6 =	sadd.s32 @!p0 s3, s7;
	s7 =	simm.s32 @!p0 $0x108  }
0x21: {  	s3 =	sadd.s32 s3, s9;
	s6 =	sadd.s32 @!p0 $0x88, s6;
	s7 =	simm.s32 @p2 $0x1082  }
0x22: {  	[simem:s7], [sflag:s8] =	dma.local @!p0 [hbm:s6], $0xF7A  }
0x23: {  	s9 =	sor.u32 $0xD0000000, s2;
	s6 =	simm.s32 $0x108;
	_ =	swait.ge @!p0 [sflag:s8], $0x0  }
0x24: {  	s3 =	sadd.s32 $0x88, s3;
	s6 =	simm.s32 @!p1 $0x1082;
	[sflag:s4] =	ssyncset.s32 $0xFFFFF086  }
0x25: {  	[simem:s6], [sflag:s4] =	dma.local [hbm:s3], $0xF7A  }
0x26: {  	[smem:$0x3F9F] =	sst s1;
	(tag) =	ssettag s2;
	_ =	strace s9  }
0x27: {  	s1 =	sld [smem:$0x3FAF]  }
0x28: {  	s2 =	sld [smem:$0x3FB0]  }
0x29: {  	s4 =	sld [smem:$0x3FB2]  }
0x2a: {  	p0 =	seq.s32 s5, $0x0;
	s5 =	sld [smem:$0x3FB3]  }
0x2b: {  	s6 =	sld [smem:$0x3FB4]  }
0x2c: {  	s7 =	sld [smem:$0x3FB5]  }
0x2d: {  	s3 =	simm.s32 $0x108;
	s8 =	sld [smem:$0x3FB6]  }
0x2e: {  	s3 =	simm.s32 @!p0 $0x1082;
	s9 =	sld [smem:$0x3FB7]  }
0x2f: {  	lr =	sadd.s32 s0, s3;
	s0 =	sld [smem:$0x3FAE]  }
0x30: {  	s3 =	sld [smem:$0x3FB1]  }
0x31: {  	[smem:$0x3FBA] =	sst s10  }
0x32: {  	s10 =	sld [smem:$0x3FB8];
	_ =	sdelay $0x3  }
0x33: {  	p0 =	seq.s32 s10, $0x1;
	s10 =	sld [smem:$0x3FBA];
	_ =	sdelay $0x3  }
0x34: {  	[smem:$0x3FBA] =	sst s10  }
0x35: {  	s10 =	sld [smem:$0x3FB9];
	_ =	sdelay $0x3  }
0x36: {  	p1 =	seq.s32 s10, $0x1;
	s10 =	sld [smem:$0x3FBA];
	_ =	sdelay $0x3  }
0x37: {  	[smem:$0x3FBA] =	sst s10  }
0x38: {  	s10 =	sld [smem:$0x3FBB]  }
0x39: {  	_ = 	snop;
	(pc) =	sbr.ind lr, $3  }
0x3a: {  	_ = 	snop  }
0x3b: {  	_ = 	snop  }
0x3c: {  	p2 =	seq.s32 s10, $0x1;
	s10 =	sld [smem:$0x3FBA]  }
0x3d: {  	_ =	shalt  }
0x3e: {  	_ =	shalt  }
0x3f: {  	_ =	shalt  }
0x40: {  	_ =	shalt  }
0x41: {  	_ =	shalt  }
0x42: {  	_ =	shalt  }
0x43: {  	_ =	shalt  }
0x44: {  	_ =	shalt  }
0x45: {  	_ =	shalt  }
0x46: {  	_ =	shalt  }
0x47: {  	_ =	shalt  }
0x48: {  	_ =	shalt  }
0x49: {  	_ =	shalt  }
0x4a: {  	_ =	shalt  }
0x4b: {  	_ =	shalt  }
0x4c: {  	_ =	shalt  }
0x4d: {  	_ =	shalt  }
0x4e: {  	_ =	shalt  }
0x4f: {  	_ =	shalt  }
0x50: {  	_ =	shalt  }
0x51: {  	_ =	shalt  }
0x52: {  	_ =	shalt  }
0x53: {  	_ =	shalt  }
0x54: {  	_ =	shalt  }
0x55: {  	_ =	shalt  }
0x56: {  	_ =	shalt  }
0x57: {  	_ =	shalt  }
0x58: {  	_ =	shalt  }
0x59: {  	_ =	shalt  }
0x5a: {  	_ =	shalt  }
0x5b: {  	_ =	shalt  }
0x5c: {  	_ =	shalt  }
0x5d: {  	_ =	shalt  }
0x5e: {  	_ =	shalt  }
0x5f: {  	_ =	shalt  }
0x60: {  	_ =	shalt  }
0x61: {  	_ =	shalt  }
0x62: {  	_ =	shalt  }
0x63: {  	_ =	shalt  }
0x64: {  	_ =	shalt  }
0x65: {  	_ =	shalt  }
0x66: {  	_ =	shalt  }
0x67: {  	_ =	shalt  }
0x68: {  	_ =	shalt  }
0x69: {  	_ =	shalt  }
0x6a: {  	_ =	shalt  }
0x6b: {  	_ =	shalt  }
0x6c: {  	_ =	shalt  }
0x6d: {  	_ =	shalt  }
0x6e: {  	_ =	shalt  }
0x6f: {  	_ =	shalt  }
0x70: {  	_ =	shalt  }
0x71: {  	_ =	shalt  }
0x72: {  	_ =	shalt  }
0x73: {  	_ =	shalt  }
0x74: {  	_ =	shalt  }
0x75: {  	_ =	shalt  }
0x76: {  	_ =	shalt  }
0x77: {  	_ =	shalt  }
0x78: {  	_ =	shalt  }
0x79: {  	_ =	shalt  }
0x7a: {  	_ =	shalt  }
0x7b: {  	_ =	shalt  }
0x7c: {  	_ =	shalt  }
0x7d: {  	_ =	shalt  }
0x7e: {  	_ =	shalt  }
0x7f: {  	_ =	shalt  }
0x80: {  	_ =	shalt  }
0x81: {  	_ =	shalt  }
0x82: {  	_ =	shalt  }
0x83: {  	_ =	shalt  }
0x84: {  	_ =	shalt  }
0x85: {  	_ =	shalt  }
0x86: {  	_ =	shalt  }
0x87: {  	_ =	shalt  }
.Lfunc_end0:
.L_simem_size_0:
called_computation_lowered:
.L_overlay_start_0:
0x88: {  	s2 =	sld [smem:$0x3FD9]  }
0x89: {  	s3 =	sld [smem:$0x3FFE];
	_ =	sdelay $0x1  }
0x8a: {  	s1 =	srdreg.scid  }
0x8b: {  	s0 =	sand.u32 $0x1, s1  }
0x8c: {  	s17 =	sshll.u32 s0, $0xA;
	s2 =	sadd.s32 s3, s2  }
0x8d: {  	s2 =	sadd.s32 s2, s17  }
0x8e: {  	[smem:$0x3FC6] =	sst s2  }
0x8f: {  	_ = 	snop  }
0x90: {  	s2 =	sld [smem:$0x3FC8]  }
0x91: {  	s18 =	sld [smem:$0x3FD0];
	(tm) =	ssettm $0x1  }
0x92: {  	s4 =	sld [smem:$0x3FFB];
	_ =	sdelay $0x3  }
0x93: {  	_ =	strace s4  }
0x94: {  	s4 =	sld [smem:$0x3FFC];
	_ =	sdelay $0x3  }
0x95: {  	_ =	strace s4  }
0x96: {  	s4 =	sld [smem:$0x3FFD];
	_ =	sdelay $0x3  }
0x97: {  	_ =	strace s4  }
0x98: {  	_ =	strace $0x8FFFFFFF  }
0x99: {  	s19 =	sld [smem:$0x3FDB];
	_ =	sdelay $0x1  }
0x9a: {  	s5 =	simm.s32 $_scs_section_size  }
0x9b: {  	s6 =	simm.s32 $_size__tile_overlayer_lowered;
	s7 =	simm.s32 $_tile_overlayer_lowered  }
0x9c: {  	s22 =	simm.s32 $0x1BFF;
	s21 =	sshll.u32 s7, $0x1;
	s4 =	sadd.s32 s5, s19  }
0x9d: {  	s8 =	simm.s32 $0x0;
	s20 =	sshll.u32 s6, $0x1;
	s6 =	sadd.s32 s21, s4  }
0x9e: {  	[timem:s8], [sflag:s22] =	dma.local [hbm:s6], s20  }
0x9f: {  	_ =	swait.ge [sflag:s22], s20  }
0xa0: {  	s5 =	ssub.s32 $0x0, s20;
	[sflag:s22] =	ssyncset.done $0x0  }
0xa1: {  	[sflag:s22] =	ssyncadd.s32 s5;
	_ =	sdelay $0x1  }
0xa2: {  	s23 =	simm.s32 $0x1B8B  }
0xa3: {  	_ =	swait.ge [sflag:s23], $0x1  }
0xa4: {  	[sflag:s23] =	ssyncset.done $0x0  }
0xa5: {  	s25 =	simm.s32 $0x1B8E;
	s24 =	sld [smem:$0x3FFE];
	[sflag:s23] =	ssyncadd.s32 $0xFFFFFFFF  }
0xa6: {  	s26 =	simm.s32 $execute0_lowered;
	[smem:$0x3FD2] =	sst s25  }
0xa7: {  	s6 =	sshll.u32 s26, $0x1;
	_ =	strace $0x80000046;
	[dreg:$0x1] =	wrdreg $0xFFFFFFFF  }
0xa8: {  	s28 =	simm.s32 $_size_execute0_lowered;
	s4 =	sadd.s32 s4, s6;
	[dreg:$0x0] =	wrdreg $0x0  }
0xa9: {  	s6 =	sshll.u32 s28, $0x1;
	[dreg:$0x2] =	wrdreg s4  }
0xaa: {  	[dreg:$0x3] =	wrdreg s6  }
0xab: {  	[dreg:$0x4] =	wrdreg $0xC0  }
0xac: {  	_ =	task [dreg:s8], $0x5FFFF  }
0xad: {  	[dreg:$0x1] =	wrdreg $0xFFFFFFFF  }
0xae: {  	[dreg:$0x0] =	wrdreg $0x60  }
0xaf: {  	[dreg:$0x2] =	wrdreg s24  }
0xb0: {  	[dreg:$0x3] =	wrdreg s2  }
0xb1: {  	[dreg:$0x4] =	wrdreg s18  }
0xb2: {  	[dreg:$0x5] =	wrdreg $0x9  }
0xb3: {  	_ =	task.clear_ibuf [dreg:s8], $0x6FFFF;
	_ =	strace $0x90000046  }
0xb4: {  	s29 =	simm.s32 $0x9;
	_ =	strace $0x80000048  }
0xb5: {  	_ =	swait.ge [sflag:s29], $0x1  }
0xb6: {  	[sflag:s29] =	ssyncadd.s32 $0xFFFFFFFF  }
0xb7: {  	_ =	strace $0x90000048  }
0xb8: {  	_ =	sfence  }
0xb9: {  	s30 =	sld [smem:$0x0];
	_ =	sdelay $0x2  }
0xba: {  	s31 =	sshll.u32 s1, $0xD;
	s1 =	sshrl.u32 s1, $0x2  }
0xbb: {  	s3 =	sand.u32 $0x4000, s31;
	s1 =	sadd.s32 s1, s30  }
0xbc: {  	s0 =	sor.u32 s3, s0;
	s1 =	sshll.u32 s1, $0x11  }
0xbd: {  	s0 =	sor.u32 s1, s0  }
0xbe: {  	s0 =	sadd.s32 $0x8F2B, s0  }
0xbf: {  	[sflag:s0] =	ssyncadd.remote.s32 $0x1  }
0xc0: {  	_ =	sfence.sel $0xFFFF  }
0xc1: {  	[dreg:$0x0] =	wrdreg $0xFFFFFFFF;
	(pc) =	sbr.abs _section_cstart, $3  }
0xc2: {  	[dreg:$0x1] =	wrdreg $0xFFFFFFFF  }
0xc3: {  	_ =	task.clear_ibuf [dreg:s8], $0x2FFFF;
	_ =	strace $0x9FFFFFFF  }
0xc4: {  	(tm) =	ssettm $0x7FFFFFFF  }
0xc5: {  	_ =	shalt  }
tec
execute0_lowered:
.L_overlay_start_1:
0x0: {  	(tag) =	ssettag $0x1  }
0x1: {  	s0 =	rddreg [dreg:$0x0]  }
0x2: {  	s2 =	rddreg [dreg:$0x1];
	s1 =	srdreg.scid  }
0x3: {  	s7 =	rddreg [dreg:$0x2];
	s9 =	stileid.u32  }
0x4: {  	s3 =	simm.s32 $0x0;
	s13 =	simm.s32 $0x8C00;
	s10 =	simm.s32 $0x400  }
0x5: {  	s14 =	simm.s32 $0x9400;
	s15 =	simm.s32 $0x9C00;
	[smem:$0x7FF] =	sst s3  }
0x6: {  	s16 =	simm.s32 $0xA400;
	_ =	strace $0x80000047;
	[dreg:$0x5] =	wrdreg s13  }
0x7: {  	s17 =	simm.s32 $0xAC00;
	s18 =	simm.s32 $0xB400;
	[dreg:$0x6] =	wrdreg s14  }
0x8: {  	s19 =	simm.s32 $0xBC00;
	s20 =	simm.s32 $0xCC00;
	[dreg:$0x7] =	wrdreg s15  }
0x9: {  	s21 =	simm.s32 $0xD400;
	s22 =	simm.s32 $0xDC00;
	[dreg:$0x8] =	wrdreg s16  }
0xa: {  	s23 =	simm.s32 $0xE400;
	s24 =	simm.s32 $0xEC00;
	[dreg:$0x9] =	wrdreg s17  }
0xb: {  	s25 =	simm.s32 $0xF400;
	s26 =	simm.s32 $0xFC00;
	[dreg:$0xa] =	wrdreg s18  }
0xc: {  	s28 =	simm.s32 $0x1;
	s29 =	simm.s32 $0xC400;
	[dreg:$0xb] =	wrdreg s19  }
0xd: {  	s30 =	simm.s32 $0x2;
	s31 =	simm.s32 $0x5;
	[dreg:$0xc] =	wrdreg s20  }
0xe: {  	s1 =	sand.u32 $0x1, s1;
	s4 =	sshll.u32 s9, $0xB;
	[dreg:$0xd] =	wrdreg s21  }
0xf: {  	s12 =	sshll.u32 s9, $0x12;
	s9 =	simm.s32 $0x9;
	[dreg:$0xe] =	wrdreg s22  }
0x10: {  	s5 =	sshll.u32 s1, $0xA;
	s11 =	ssub.s32 $0x2, s1;
	[dreg:$0xf] =	wrdreg s23  }
0x11: {  	s1 =	sshll.u32 s1, $0x11;
	s18 =	simm.s32 $0x4400;
	[dreg:$0x10] =	wrdreg s24  }
0x12: {  	s21 =	simm.s32 $0x5C00;
	s22 =	simm.s32 $0x6400;
	[dreg:$0x11] =	wrdreg s25  }
0x13: {  	s23 =	simm.s32 $0x6C00;
	s24 =	simm.s32 $0x7400;
	[dreg:$0x12] =	wrdreg s26  }
0x14: {  	s25 =	simm.s32 $0x7C00;
	s26 =	simm.s32 $0x8400;
	s13 =	simm.s32 $0x8  }
0x15: {  	s14 =	simm.s32 $0x0;
	s4 =	sor.u32 s5, s4;
	s6 =	sshrl.u32 s11, $0x1  }
0x16: {  	s5 =	sadd.s32 $0x100, s2;
	s4 =	sshrl.u32 s4, $0x3;
	s8 =	ssub.s32 s11, s6  }
0x17: {  	s6 =	sadd.s32 $0x200, s2;
	s11 =	simm.s32 $0x4;
	s0 =	sadd.s32 s4, s0  }
0x18: {  	v2 =	vlaneseq.u32;
	s8 =	smax.u32 s8, $0x1;
	s4 =	sadd.s32 $0x400, s0;
	s0 =	sadd.s32 s12, s7  }
0x19: {  	vm0 =	vmmov $0xffff;
	v1 =	vshrl.u32 v2, $0x3;
	s7 =	sadd.s32 $0x300, s2;
	s12 =	simm.s32 $0x7;
	s0 =	sadd.s32 s1, s0  }
0x1a: {  	v0 =	vand.u32 $0x7, v2;
	v2 =	vor.u32 $0x8, v2;
	v1 =	vmul.u32 $0x8, v1;
	s1 =	simm.s32 $0x6;
	[dreg:$0x4] =	wrdreg s0;
	s0 =	simm.s32 $0x3  }
.LBB2_1:
0x1b: {  	[tilespmem:s3], [sflag:$0x9] =	stream.linear.gather [hbm4b:s4+s3], $0x400, $0x38;
	[tilespmem:$0x10400] =	vst v63  }
0x1c: {  	_ =	swait.ge [sflag:s9], $0x400  }
0x1d: {  	[sflag:s9] =	ssyncset.done $0x0  }
0x1e: {  	[sflag:s9] =	ssyncadd.s32 $0xFFFFFC00  }
0x1f: {  	v3 =	vld [tilespmem:$0x0];
	_ =	sdelay $0x4  }
0x20: {  	v4 =	vshll.u32 v3, $0x3  }
0x21: {  	v3 =	vand.u32 $0x7, v3;
	v4 =	vand.u32 $0xFFFFFFC0, v4  }
0x22: {  	v3 =	vor.u32 v3, v4  }
0x23: {  	v4 =	vperm.xlane v3, v0;
	_ =	sdelay $0x1  }
0x24: {  	v4 =	vadd.s32 v1, v4;
	_ =	sdelay $0x4  }
0x25: {  	[tilespmem:s10], [sflag:$0x1] =	stream.indirect_vreg.gather [hbm4b:s2+s3], $0x80, v4, vm0, $0xb8;
	[tilespmem:$0x10400] =	vst v63  }
0x26: {  	s15 =	simm.s32 $0xC00;
	v3 =	vperm.xlane v3, v2  }
0x27: {  	[tilespmem:s15], [sflag:$0x1] =	stream.indirect_vreg.gather [hbm4b:s5+s3], $0x80, v4, vm0, $0xb8;
	[tilespmem:$0x10400] =	vst v63  }
0x28: {  	s16 =	simm.s32 $0x1400;
	v3 =	vadd.s32 v1, v3  }
0x29: {  	[tilespmem:s16], [sflag:$0x1] =	stream.indirect_vreg.gather [hbm4b:s6+s3], $0x80, v4, vm0, $0xb8;
	[tilespmem:$0x10400] =	vst v63  }
0x2a: {  	s17 =	simm.s32 $0x1C00  }
0x2b: {  	[tilespmem:s17], [sflag:$0x1] =	stream.indirect_vreg.gather [hbm4b:s7+s3], $0x80, v4, vm0, $0xb8;
	[tilespmem:$0x10400] =	vst v63  }
0x2c: {  	s19 =	simm.s32 $0x2400  }
0x2d: {  	[tilespmem:s19], [sflag:$0x1] =	stream.indirect_vreg.gather [hbm4b:s2+s3], $0x80, v3, vm0, $0xb8;
	[tilespmem:$0x10400] =	vst v63  }
0x2e: {  	s20 =	simm.s32 $0x2C00  }
0x2f: {  	[tilespmem:s20], [sflag:$0x1] =	stream.indirect_vreg.gather [hbm4b:s5+s3], $0x80, v3, vm0, $0xb8;
	[tilespmem:$0x10400] =	vst v63  }
0x30: {  	s16 =	simm.s32 $0x3400  }
0x31: {  	[tilespmem:s16], [sflag:$0x1] =	stream.indirect_vreg.gather [hbm4b:s6+s3], $0x80, v3, vm0, $0xb8;
	[tilespmem:$0x10400] =	vst v63  }
0x32: {  	s17 =	simm.s32 $0x3C00  }
0x33: {  	[tilespmem:s17], [sflag:$0x1] =	stream.indirect_vreg.gather [hbm4b:s7+s3], $0x80, v3, vm0, $0xb8;
	[tilespmem:$0x10400] =	vst v63  }
0x34: {  	v3 =	vld [tilespmem:$0x10];
	_ =	sdelay $0x4  }
0x35: {  	v63 =	vshll.u32 v3, $0x3  }
0x36: {  	v3 =	vand.u32 $0x7, v3;
	v4 =	vand.u32 $0xFFFFFFC0, v63  }
0x37: {  	v3 =	vor.u32 v3, v4  }
0x38: {  	v4 =	vperm.xlane v3, v0;
	_ =	sdelay $0x1  }
0x39: {  	v4 =	vadd.s32 v1, v4;
	_ =	sdelay $0x4  }
0x3a: {  	[tilespmem:s18], [sflag:$0x2] =	stream.indirect_vreg.gather [hbm4b:s2+s3], $0x80, v4, vm0, $0xb8;
	[tilespmem:$0x10400] =	vst v63  }
0x3b: {  	s19 =	simm.s32 $0x4C00;
	v3 =	vperm.xlane v3, v2  }
0x3c: {  	[tilespmem:s19], [sflag:$0x2] =	stream.indirect_vreg.gather [hbm4b:s5+s3], $0x80, v4, vm0, $0xb8;
	[tilespmem:$0x10400] =	vst v63  }
0x3d: {  	s20 =	simm.s32 $0x5400;
	v3 =	vadd.s32 v1, v3  }
0x3e: {  	[tilespmem:s20], [sflag:$0x2] =	stream.indirect_vreg.gather [hbm4b:s6+s3], $0x80, v4, vm0, $0xb8;
	[tilespmem:$0x10400] =	vst v63  }
0x3f: {  	_ = 	snop  }
0x40: {  	[tilespmem:s21], [sflag:$0x2] =	stream.indirect_vreg.gather [hbm4b:s7+s3], $0x80, v4, vm0, $0xb8;
	[tilespmem:$0x10400] =	vst v63  }
0x41: {  	_ = 	snop  }
0x42: {  	[tilespmem:s22], [sflag:$0x2] =	stream.indirect_vreg.gather [hbm4b:s2+s3], $0x80, v3, vm0, $0xb8;
	[tilespmem:$0x10400] =	vst v63  }
0x43: {  	_ = 	snop  }
0x44: {  	[tilespmem:s23], [sflag:$0x2] =	stream.indirect_vreg.gather [hbm4b:s5+s3], $0x80, v3, vm0, $0xb8;
	[tilespmem:$0x10400] =	vst v63  }
0x45: {  	_ = 	snop  }
0x46: {  	[tilespmem:s24], [sflag:$0x2] =	stream.indirect_vreg.gather [hbm4b:s6+s3], $0x80, v3, vm0, $0xb8;
	[tilespmem:$0x10400] =	vst v63  }
0x47: {  	s15 =	simm.s32 $0x30;
	s16 =	simm.s32 $0x0  }
0x48: {  	[tilespmem:s25], [sflag:$0x2] =	stream.indirect_vreg.gather [hbm4b:s7+s3], $0x80, v3, vm0, $0xb8;
	[tilespmem:$0x10400] =	vst v63  }
.LBB2_2:
0x49: {  	p0 =	seq.s32 s16, $0x0  }
0x4a: {  	s17 =	simm.s32 @!p0 $0x7  }
0x4b: {  	_ =	swait.ge @!p0 [sflag:s17], $0x4000  }
0x4c: {  	[sflag:s17] =	ssyncset.done @!p0 $0x0  }
0x4d: {  	[sflag:s17] =	ssyncadd.s32 @!p0 $0xFFFFC000  }
0x4e: {  	v3 =	vld [tilespmem:s15+$0xFFFFFFF0];
	_ =	sdelay $0x4  }
0x4f: {  	v4 =	vshll.u32 v3, $0x3  }
0x50: {  	v3 =	vand.u32 $0x7, v3;
	v4 =	vand.u32 $0xFFFFFFC0, v4  }
0x51: {  	v3 =	vor.u32 v3, v4  }
0x52: {  	v4 =	vperm.xlane v3, v0;
	_ =	sdelay $0x1  }
0x53: {  	v4 =	vadd.s32 v1, v4;
	_ =	sdelay $0x4  }
0x54: {  	[tilespmem:s26], [sflag:$0x3] =	stream.indirect_vreg.gather [hbm4b:s2+s3], $0x80, v4, vm0, $0xb8;
	[tilespmem:$0x10400] =	vst v63  }
0x55: {  	s20 =	rddreg [dreg:$0x5];
	v3 =	vperm.xlane v3, v2  }
0x56: {  	[tilespmem:s20], [sflag:$0x3] =	stream.indirect_vreg.gather [hbm4b:s5+s3], $0x80, v4, vm0, $0xb8;
	[tilespmem:$0x10400] =	vst v63  }
0x57: {  	s19 =	rddreg [dreg:$0x6];
	v3 =	vadd.s32 v1, v3  }
0x58: {  	[tilespmem:s19], [sflag:$0x3] =	stream.indirect_vreg.gather [hbm4b:s6+s3], $0x80, v4, vm0, $0xb8;
	[tilespmem:$0x10400] =	vst v63  }
0x59: {  	s20 =	rddreg [dreg:$0x7]  }
0x5a: {  	[tilespmem:s20], [sflag:$0x3] =	stream.indirect_vreg.gather [hbm4b:s7+s3], $0x80, v4, vm0, $0xb8;
	[tilespmem:$0x10400] =	vst v63  }
0x5b: {  	s19 =	rddreg [dreg:$0x8]  }
0x5c: {  	[tilespmem:s19], [sflag:$0x3] =	stream.indirect_vreg.gather [hbm4b:s2+s3], $0x80, v3, vm0, $0xb8;
	[tilespmem:$0x10400] =	vst v63  }
0x5d: {  	s20 =	rddreg [dreg:$0x9]  }
0x5e: {  	[tilespmem:s20], [sflag:$0x3] =	stream.indirect_vreg.gather [hbm4b:s5+s3], $0x80, v3, vm0, $0xb8;
	[tilespmem:$0x10400] =	vst v63  }
0x5f: {  	s19 =	rddreg [dreg:$0xa]  }
0x60: {  	[tilespmem:s19], [sflag:$0x3] =	stream.indirect_vreg.gather [hbm4b:s6+s3], $0x80, v3, vm0, $0xb8;
	[tilespmem:$0x10400] =	vst v63  }
0x61: {  	s20 =	rddreg [dreg:$0xb]  }
0x62: {  	[tilespmem:s20], [sflag:$0x3] =	stream.indirect_vreg.gather [hbm4b:s7+s3], $0x80, v3, vm0, $0xb8;
	[tilespmem:$0x10400] =	vst v63  }
0x63: {  	_ =	swait.ge [sflag:s28], $0x4000  }
0x64: {  	s19 =	rddreg [dreg:$0x4];
	[sflag:s28] =	ssyncset.done $0x0  }
0x65: {  	[sflag:s28] =	ssyncadd.s32 $0xFFFFC000;
	s17 =	sadd.s32 s16, s19;
	s19 =	simm.s32 @!p0 $0x8  }
0x66: {  	[hbm4b:s17+s3] =	stream.linear.scatter [tilespmem:s10], [sflag:$0x5], $0x4000, $0x38;
	[tilespmem:$0x10400] =	vst v63  }
0x67: {  	_ =	swait.ge @!p0 [sflag:s19], $0x4000  }
0x68: {  	[sflag:s19] =	ssyncset.done @!p0 $0x0  }
0x69: {  	[sflag:s19] =	ssyncadd.s32 @!p0 $0xFFFFC000  }
0x6a: {  	v3 =	vld [tilespmem:s15+$0x0];
	_ =	sdelay $0x4  }
0x6b: {  	v63 =	vshll.u32 v3, $0x3  }
0x6c: {  	v3 =	vand.u32 $0x7, v3;
	v4 =	vand.u32 $0xFFFFFFC0, v63  }
0x6d: {  	v3 =	vor.u32 v3, v4  }
0x6e: {  	v4 =	vperm.xlane v3, v0;
	_ =	sdelay $0x1  }
0x6f: {  	v4 =	vadd.s32 v1, v4;
	_ =	sdelay $0x4  }
0x70: {  	[tilespmem:s29], [sflag:$0x4] =	stream.indirect_vreg.gather [hbm4b:s2+s3], $0x80, v4, vm0, $0xb8;
	[tilespmem:$0x10400] =	vst v63  }
0x71: {  	s19 =	rddreg [dreg:$0xc];
	v3 =	vperm.xlane v3, v2  }
0x72: {  	[tilespmem:s19], [sflag:$0x4] =	stream.indirect_vreg.gather [hbm4b:s5+s3], $0x80, v4, vm0, $0xb8;
	[tilespmem:$0x10400] =	vst v63  }
0x73: {  	s20 =	rddreg [dreg:$0xd];
	v3 =	vadd.s32 v1, v3  }
0x74: {  	[tilespmem:s20], [sflag:$0x4] =	stream.indirect_vreg.gather [hbm4b:s6+s3], $0x80, v4, vm0, $0xb8;
	[tilespmem:$0x10400] =	vst v63  }
0x75: {  	s19 =	rddreg [dreg:$0xe]  }
0x76: {  	[tilespmem:s19], [sflag:$0x4] =	stream.indirect_vreg.gather [hbm4b:s7+s3], $0x80, v4, vm0, $0xb8;
	[tilespmem:$0x10400] =	vst v63  }
0x77: {  	s20 =	rddreg [dreg:$0xf]  }
0x78: {  	[tilespmem:s20], [sflag:$0x4] =	stream.indirect_vreg.gather [hbm4b:s2+s3], $0x80, v3, vm0, $0xb8;
	[tilespmem:$0x10400] =	vst v63  }
0x79: {  	s19 =	rddreg [dreg:$0x10]  }
0x7a: {  	[tilespmem:s19], [sflag:$0x4] =	stream.indirect_vreg.gather [hbm4b:s5+s3], $0x80, v3, vm0, $0xb8;
	[tilespmem:$0x10400] =	vst v63  }
0x7b: {  	s20 =	rddreg [dreg:$0x11]  }
0x7c: {  	[tilespmem:s20], [sflag:$0x4] =	stream.indirect_vreg.gather [hbm4b:s6+s3], $0x80, v3, vm0, $0xb8;
	[tilespmem:$0x10400] =	vst v63  }
0x7d: {  	s19 =	rddreg [dreg:$0x12]  }
0x7e: {  	[tilespmem:s19], [sflag:$0x4] =	stream.indirect_vreg.gather [hbm4b:s7+s3], $0x80, v3, vm0, $0xb8;
	[tilespmem:$0x10400] =	vst v63  }
0x7f: {  	_ =	swait.ge [sflag:s30], $0x4000  }
0x80: {  	[sflag:s30] =	ssyncset.done $0x0  }
0x81: {  	s20 =	sadd.s32 $0x800, s17;
	[sflag:s30] =	ssyncadd.s32 $0xFFFFC000  }
0x82: {  	[hbm4b:s20+s3] =	stream.linear.scatter [tilespmem:s18], [sflag:$0x6], $0x4000, $0x38;
	[tilespmem:$0x10400] =	vst v63  }
0x83: {  	_ =	swait.ge [sflag:s31], $0x4000  }
0x84: {  	[sflag:s31] =	ssyncset.done $0x0  }
0x85: {  	p0 =	seq.s32 s16, $0x1E000;
	[sflag:s31] =	ssyncadd.s32 $0xFFFFC000  }
0x86: {  	v3 =	vld @!p0 [tilespmem:s15+$0x10];
	_ =	sdelay $0x4  }
0x87: {  	v4 =	vshll.u32 @!p0 v3, $0x3  }
0x88: {  	v5 =	vlaneseq.u32 @!p0;
	v3 =	vand.u32 @!p0 $0x7, v3;
	v4 =	vand.u32 @!p0 $0xFFFFFFC0, v4  }
0x89: {  	v6 =	vshrl.u32 @!p0 v5, $0x3;
	v3 =	vor.u32 @!p0 v3, v4;
	v4 =	vand.u32 @!p0 $0x7, v5  }
0x8a: {  	v6 =	vmul.u32 @!p0 $0x8, v6;
	v7 =	vperm.xlane @!p0 v3, v4;
	_ =	sdelay $0x1  }
0x8b: {  	v7 =	vadd.s32 @!p0 v6, v7;
	_ =	sdelay $0x3  }
0x8c: {  	vm1 =	vmmov @!p0 $0xffff;
	s19 =	simm.s32 @!p0 $0x0;
	s20 =	simm.s32 @!p0 $0x400  }
0x8d: {  	v5 =	vor.u32 @!p0 $0x8, v5;
	[tilespmem:s20], [sflag:$0x1] =	stream.indirect_vreg.gather @!p0 [hbm4b:s2+s19], $0x80, v7, vm1, $0xb8;
	[tilespmem:$0x10400] =	vst v63  }
0x8e: {  	v3 =	vperm.xlane @!p0 v3, v5;
	s20 =	simm.s32 @!p0 $0xC00  }
0x8f: {  	[tilespmem:s20], [sflag:$0x1] =	stream.indirect_vreg.gather @!p0 [hbm4b:s5+s19], $0x80, v7, vm1, $0xb8;
	[tilespmem:$0x10400] =	vst v63  }
0x90: {  	v3 =	vadd.s32 @!p0 v6, v3;
	s20 =	simm.s32 @!p0 $0x1400  }
0x91: {  	[tilespmem:s20], [sflag:$0x1] =	stream.indirect_vreg.gather @!p0 [hbm4b:s6+s19], $0x80, v7, vm1, $0xb8;
	[tilespmem:$0x10400] =	vst v63  }
0x92: {  	s20 =	simm.s32 @!p0 $0x1C00  }
0x93: {  	[tilespmem:s20], [sflag:$0x1] =	stream.indirect_vreg.gather @!p0 [hbm4b:s7+s19], $0x80, v7, vm1, $0xb8;
	[tilespmem:$0x10400] =	vst v63  }
0x94: {  	s20 =	simm.s32 @!p0 $0x2400  }
0x95: {  	[tilespmem:s20], [sflag:$0x1] =	stream.indirect_vreg.gather @!p0 [hbm4b:s2+s19], $0x80, v3, vm1, $0xb8;
	[tilespmem:$0x10400] =	vst v63  }
0x96: {  	s20 =	simm.s32 @!p0 $0x2C00  }
0x97: {  	[tilespmem:s20], [sflag:$0x1] =	stream.indirect_vreg.gather @!p0 [hbm4b:s5+s19], $0x80, v3, vm1, $0xb8;
	[tilespmem:$0x10400] =	vst v63  }
0x98: {  	s20 =	simm.s32 @!p0 $0x3400  }
0x99: {  	[tilespmem:s20], [sflag:$0x1] =	stream.indirect_vreg.gather @!p0 [hbm4b:s6+s19], $0x80, v3, vm1, $0xb8;
	[tilespmem:$0x10400] =	vst v63  }
0x9a: {  	s20 =	simm.s32 @!p0 $0x3C00  }
0x9b: {  	[tilespmem:s20], [sflag:$0x1] =	stream.indirect_vreg.gather @!p0 [hbm4b:s7+s19], $0x80, v3, vm1, $0xb8;
	[tilespmem:$0x10400] =	vst v63  }
0x9c: {  	_ =	swait.ge [sflag:s0], $0x4000  }
0x9d: {  	[sflag:s0] =	ssyncset.done $0x0  }
0x9e: {  	s20 =	sadd.s32 $0x1000, s17;
	[sflag:s0] =	ssyncadd.s32 $0xFFFFC000  }
0x9f: {  	[hbm4b:s20+s3] =	stream.linear.scatter [tilespmem:s26], [sflag:$0x7], $0x4000, $0x38;
	[tilespmem:$0x10400] =	vst v63  }
0xa0: {  	_ =	swait.ge [sflag:s1], $0x4000  }
0xa1: {  	[sflag:s1] =	ssyncset.done $0x0  }
0xa2: {  	[sflag:s1] =	ssyncadd.s32 $0xFFFFC000  }
0xa3: {  	v3 =	vld @!p0 [tilespmem:s15+$0x20];
	_ =	sdelay $0x4  }
0xa4: {  	v7 =	vshll.u32 @!p0 v3, $0x3  }
0xa5: {  	v3 =	vand.u32 @!p0 $0x7, v3;
	v7 =	vand.u32 @!p0 $0xFFFFFFC0, v7  }
0xa6: {  	v3 =	vor.u32 @!p0 v3, v7  }
0xa7: {  	v4 =	vperm.xlane @!p0 v3, v4;
	_ =	sdelay $0x1  }
0xa8: {  	v4 =	vadd.s32 @!p0 v6, v4;
	_ =	sdelay $0x3  }
0xa9: {  	s20 =	simm.s32 @!p0 $0x4400  }
0xaa: {  	[tilespmem:s20], [sflag:$0x2] =	stream.indirect_vreg.gather @!p0 [hbm4b:s2+s19], $0x80, v4, vm1, $0xb8;
	[tilespmem:$0x10400] =	vst v63  }
0xab: {  	v3 =	vperm.xlane @!p0 v3, v5;
	s20 =	simm.s32 @!p0 $0x4C00  }
0xac: {  	[tilespmem:s20], [sflag:$0x2] =	stream.indirect_vreg.gather @!p0 [hbm4b:s5+s19], $0x80, v4, vm1, $0xb8;
	[tilespmem:$0x10400] =	vst v63  }
0xad: {  	v3 =	vadd.s32 @!p0 v6, v3;
	s20 =	simm.s32 @!p0 $0x5400  }
0xae: {  	[tilespmem:s20], [sflag:$0x2] =	stream.indirect_vreg.gather @!p0 [hbm4b:s6+s19], $0x80, v4, vm1, $0xb8;
	[tilespmem:$0x10400] =	vst v63  }
0xaf: {  	s20 =	simm.s32 @!p0 $0x5C00  }
0xb0: {  	[tilespmem:s20], [sflag:$0x2] =	stream.indirect_vreg.gather @!p0 [hbm4b:s7+s19], $0x80, v4, vm1, $0xb8;
	[tilespmem:$0x10400] =	vst v63  }
0xb1: {  	s20 =	simm.s32 @!p0 $0x6400  }
0xb2: {  	[tilespmem:s20], [sflag:$0x2] =	stream.indirect_vreg.gather @!p0 [hbm4b:s2+s19], $0x80, v3, vm1, $0xb8;
	[tilespmem:$0x10400] =	vst v63  }
0xb3: {  	s20 =	simm.s32 @!p0 $0x6C00  }
0xb4: {  	[tilespmem:s20], [sflag:$0x2] =	stream.indirect_vreg.gather @!p0 [hbm4b:s5+s19], $0x80, v3, vm1, $0xb8;
	[tilespmem:$0x10400] =	vst v63  }
0xb5: {  	s20 =	simm.s32 @!p0 $0x7400  }
0xb6: {  	[tilespmem:s20], [sflag:$0x2] =	stream.indirect_vreg.gather @!p0 [hbm4b:s6+s19], $0x80, v3, vm1, $0xb8;
	[tilespmem:$0x10400] =	vst v63  }
0xb7: {  	s16 =	sadd.s32 $0x2000, s16;
	s20 =	simm.s32 @!p0 $0x7C00  }
0xb8: {  	[tilespmem:s20], [sflag:$0x2] =	stream.indirect_vreg.gather @!p0 [hbm4b:s7+s19], $0x80, v3, vm1, $0xb8;
	[tilespmem:$0x10400] =	vst v63  }
0xb9: {  	p0 =	sne.s32 s16, $0x20000  }
.Ltmp0:
0xba: {  	_ = 	snop;
	(pc) =	sbr.rel @p0 .LBB2_2-.Ltmp0, $4  }
0xbb: {  	_ =	swait.ge [sflag:s11], $0x4000  }
0xbc: {  	[sflag:s11] =	ssyncset.done $0x0  }
0xbd: {  	s17 =	sadd.s32 $0x1800, s17;
	s15 =	sadd.s32 $0x40, s15;
	[sflag:s11] =	ssyncadd.s32 $0xFFFFC000  }
0xbe: {  	[hbm4b:s17+s3] =	stream.linear.scatter [tilespmem:s29], [sflag:$0x8], $0x4000, $0x38;
	[tilespmem:$0x10400] =	vst v63  }
0xbf: {  	s14 =	sadd.s32 $0x1, s14  }
0xc0: {  	_ =	swait.ge [sflag:s12], $0x4000;
	p0 =	sne.s32 s14, s8  }
.Ltmp1:
0xc1: {  	[sflag:s12] =	ssyncset.done $0x0;
	(pc) =	sbr.rel @p0 .LBB2_1-.Ltmp1, $4  }
0xc2: {  	[sflag:s12] =	ssyncadd.s32 $0xFFFFC000  }
0xc3: {  	_ =	swait.ge [sflag:s13], $0x4000  }
0xc4: {  	[sflag:s13] =	ssyncset.done $0x0  }
0xc5: {  	[sflag:s13] =	ssyncadd.s32 $0xFFFFC000  }
0xc6: {  	_ =	sfence.sel $0x180000  }
0xc7: {  	[bflag:$0x0] =	sbarrier.arrive $0xFFFF  }
0xc8: {  	_ =	strace $0x90000047  }
0xc9: {  	s0 =	stileid.u32;
	[bflag:$0x2] =	sbarrier.arrive $0xFFFF  }
0xca: {  	p0 =	sne.s32 s0, $0x0;
	s0 =	rddreg [dreg:$0x3]  }
0xcb: {  	s0 =	sadd.s32 @!p0 $0x100000, s0  }
0xcc: {  	[sflag:s0] =	ssyncadd.tile.s32 @!p0 $0x1;
	_ =	shalt  }
.Lfunc_end2:
_tile_overlayer_lowered:
.L_overlay_start_2:
0xcd: {  	(tag) =	ssettag $0x2  }
0xce: {  	s0 =	rddreg [dreg:$0x0];
	s2 =	stileid.u32  }
0xcf: {  	s1 =	rddreg [dreg:$0x1];
	p0 =	sne.s32 s2, $0x0  }
0xd0: {  	s3 =	rddreg [dreg:$0x2];
	[bflag:$0x3] =	sbarrier.arrive $0xFFFF;
	s2 =	simm.s32 @!p0 $0x1C09  }
0xd1: {  	[timem:s3], [sflag:s2] =	dma.local @!p0 [hbm:s0], s1  }
0xd2: {  	s0 =	simm.s32 @!p0 $0x9  }
0xd3: {  	_ =	swait.ge @!p0 [sflag:s0], s1  }
0xd4: {  	s1 =	ssub.s32 @!p0 $0x0, s1;
	[sflag:s0] =	ssyncset.done @!p0 $0x0  }
0xd5: {  	[sflag:s0] =	ssyncadd.s32 @!p0 s1  }
0xd6: {  	[bflag:$0x3] =	sbarrier.arrive $0xFFFF  }
0xd7: {  	_ =	shalt  }

</sc_bundles>
